<compile_context>
chip_gen: v7x
topology: tpu7x:2x2x1
jax: 0.10.2.dev20260603
libtpu: 0.0.44.dev20260713+nightly
codegen_flags: <defaults>
</compile_context>

<pallas_src>
import functools
import math

import numpy as np
import jax
import jax.numpy as jnp
from jax import lax
from jax.experimental import pallas as pl
from jax.experimental.pallas import tpu as pltpu
from jax.experimental.pallas import tpu_sc as plsc

_M32 = 0xFFFFFFFF


def _py_threefry2x32(k1, k2, x0, x1):
    def rotl(x, d):
        return ((x << d) | (x >> (32 - d))) & _M32

    ks0, ks1 = k1, k2
    ks2 = k1 ^ k2 ^ 0x1BD11BDA
    x0 = (x0 + ks0) & _M32
    x1 = (x1 + ks1) & _M32
    rots = ((13, 15, 26, 6), (17, 29, 16, 24))

    def r4(x0, x1, rs):
        for r in rs:
            x0 = (x0 + x1) & _M32
            x1 = rotl(x1, r)
            x1 = x0 ^ x1
        return x0, x1

    x0, x1 = r4(x0, x1, rots[0]); x0 = (x0 + ks1) & _M32; x1 = (x1 + ks2 + 1) & _M32
    x0, x1 = r4(x0, x1, rots[1]); x0 = (x0 + ks2) & _M32; x1 = (x1 + ks0 + 2) & _M32
    x0, x1 = r4(x0, x1, rots[0]); x0 = (x0 + ks0) & _M32; x1 = (x1 + ks1 + 3) & _M32
    x0, x1 = r4(x0, x1, rots[1]); x0 = (x0 + ks1) & _M32; x1 = (x1 + ks2 + 4) & _M32
    x0, x1 = r4(x0, x1, rots[0]); x0 = (x0 + ks2) & _M32; x1 = (x1 + ks0 + 5) & _M32
    return x0, x1


_SK1, _SK2 = _py_threefry2x32(0, 42, 0, 1)

_TINY = np.float32(np.finfo(np.float32).tiny)
_CUTOFF = 20.45
_E_LB = np.float32(1.178e-7)
_MBIG = np.float32(3e38)
_KBIG = np.int32(0x7FFFFFFF)
_KMAX = 4096
_CH = 8


def _k1a_body(prev_ref, prevT_ref, noise_ref, noiseT_ref, ctrl_ref, ctrlT_ref,
              A_ref, AT_ref, B_ref, BT_ref, CT_ref, obsT_ref, lwp_ref,
              spn_ref, a_ref):
    prev = prev_ref[0]
    ctrl = ctrl_ref[0]
    cb = jnp.dot(ctrl, B_ref[...], preferred_element_type=jnp.float32)
    spn = jnp.dot(prev, A_ref[...], preferred_element_type=jnp.float32) + cb
    spn = spn + noise_ref[0]
    spn_ref[0] = spn

    prevT = prevT_ref[0]
    ctrlT = ctrlT_ref[0]
    cbT = jnp.dot(BT_ref[...], ctrlT, preferred_element_type=jnp.float32)
    spT = jnp.dot(AT_ref[...], prevT, preferred_element_type=jnp.float32) + cbT
    spT = spT + noiseT_ref[0]
    diffT = jnp.dot(CT_ref[...], spT, preferred_element_type=jnp.float32) \
        - obsT_ref[0]
    s = jnp.sum(diffT * diffT, axis=0, keepdims=True)
    a_ref[0] = lwp_ref[0] + (-0.5) * s


def _k1b_body(a_ref, lw_ref):
    a = a_ref[0]
    amax = jnp.max(a)
    se = jnp.sum(jnp.exp(a - amax))
    lse = jnp.log(se) + amax
    lw_ref[0] = a - lse


def _k1c_body(lw_ref, spn_ref, best_ref):
    mb = pl.program_id(1)

    @pl.when(mb == 0)
    def _():
        best_ref[0] = jnp.zeros_like(best_ref[0])

    best_ref[0] += jnp.dot(jnp.exp(lw_ref[0]), spn_ref[0],
                           preferred_element_type=jnp.float32)


def _tf_bits(hi, lo):
    ks0 = np.uint32(_SK1)
    ks1 = np.uint32(_SK2)
    ks2 = np.uint32(_SK1 ^ _SK2 ^ 0x1BD11BDA)

    def r4(x0, x1, rs):
        for r in rs:
            x0 = x0 + x1
            x1 = (x1 << r) | (x1 >> (32 - r))
            x1 = x0 ^ x1
        return x0, x1

    x0 = hi + ks0
    x1 = lo + ks1
    x0, x1 = r4(x0, x1, (13, 15, 26, 6))
    x0 = x0 + ks1; x1 = x1 + (ks2 + np.uint32(1))
    x0, x1 = r4(x0, x1, (17, 29, 16, 24))
    x0 = x0 + ks2; x1 = x1 + (ks0 + np.uint32(2))
    x0, x1 = r4(x0, x1, (13, 15, 26, 6))
    x0 = x0 + ks0; x1 = x1 + (ks1 + np.uint32(3))
    x0, x1 = r4(x0, x1, (17, 29, 16, 24))
    x0 = x0 + ks1; x1 = x1 + (ks2 + np.uint32(4))
    x0, x1 = r4(x0, x1, (13, 15, 26, 6))
    x0 = x0 + ks2; x1 = x1 + (ks0 + np.uint32(5))
    return x0 ^ x1


def _make_k2_body(n_rows, m_cat, kmax, tiles_per_prog):
    nch = kmax // _CH
    sh_m = int(math.log2(m_cat))
    assert (1 << sh_m) == m_cat
    nu = np.uint32(n_rows)

    def body(karr_ref, warr_ref, thr_ref, out_ref, mout_ref):
        j = pl.program_id(0)
        sb = pl.program_id(1)
        ju = lax.convert_element_type(j, jnp.uint32)

        ts = tiles_per_prog * 128
        ii = lax.broadcasted_iota(jnp.int32, (_CH, ts), 1) + sb * ts
        iu = lax.convert_element_type(ii, jnp.uint32)
        q = iu * nu + ju
        lo_base = q << sh_m
        hi = q >> (32 - sh_m)

        def cond(carry):
            c, mb, kb = carry
            return c < nch

        def step(carry):
            c, mb, kb = carry
            kcol = karr_ref[0, pl.ds(c * _CH, _CH), :]
            wcol = warr_ref[0, pl.ds(c * _CH, _CH), :]
            lo = lo_base + lax.convert_element_type(kcol, jnp.uint32)
            bits = _tf_bits(hi, lo)
            sh = bits >> 9
            fl = lax.bitcast_convert_type(sh | np.uint32(0x3F800000),
                                          jnp.float32) - 1.0
            u = jnp.where(sh == np.uint32(0), _TINY, fl)
            e = -jnp.log(u)
            mm = e * wcol
            kbr = jnp.broadcast_to(kcol, (_CH, ts))
            upd = (mm < mb) | ((mm == mb) & (kbr < kb))
            mb = jnp.where(upd, mm, mb)
            kb = jnp.where(upd, kbr, kb)
            tval = thr_ref[0, 0, c]
            done = jnp.all(mb < tval)
            c = jnp.where(done, nch, c + 1)
            return c, mb, kb

        mb0 = jnp.full((_CH, ts), _MBIG, jnp.float32)
        kb0 = jnp.full((_CH, ts), _KBIG, jnp.int32)
        _, mb, kb = lax.while_loop(cond, step, (jnp.int32(0), mb0, kb0))

        mmin = jnp.min(mb, axis=0, keepdims=True)
        kmin = jnp.min(jnp.where(mb == mmin, kb, _KBIG), axis=0,
                       keepdims=True)
        out_ref[0, :, :] = kmin
        mout_ref[0, :, :] = mmin

    return body


def _run_k2(karr, warr, thr, n_rows, m_cat, kmax):
    tiles_per_prog = 8
    ts = tiles_per_prog * 128
    nsb = m_cat // ts
    nch = kmax // _CH
    body = _make_k2_body(n_rows, m_cat, kmax, tiles_per_prog)
    kout, mout = pl.pallas_call(
        body,
        grid=(n_rows, nsb),
        in_specs=[
            pl.BlockSpec((1, kmax, 1), lambda j, sb: (j, 0, 0)),
            pl.BlockSpec((1, kmax, 1), lambda j, sb: (j, 0, 0)),
            pl.BlockSpec((1, 1, nch), lambda j, sb: (j, 0, 0),
                         memory_space=pltpu.SMEM),
        ],
        out_specs=[
            pl.BlockSpec((1, 1, ts), lambda j, sb: (j * nsb + sb, 0, 0)),
            pl.BlockSpec((1, 1, ts), lambda j, sb: (j * nsb + sb, 0, 0)),
        ],
        out_shape=[
            jax.ShapeDtypeStruct((n_rows * nsb, 1, ts), jnp.int32),
            jax.ShapeDtypeStruct((n_rows * nsb, 1, ts), jnp.float32),
        ],
    )(karr, warr, thr.reshape(n_rows, 1, nch))
    return kout.reshape(n_rows, m_cat), mout.reshape(n_rows, m_cat)


def _sc_gather(table, idx2d, total_rows, d):
    info = plsc.get_sparse_core_info()
    nw = info.num_cores * info.num_subcores
    b_per_w = total_rows // nw
    chrows = 2048
    nchunks = b_per_w // chrows
    rows_per_chunk_idx = chrows // 128
    mesh = plsc.VectorSubcoreMesh(core_axis_name="c", subcore_axis_name="s")

    @functools.partial(
        pl.kernel, mesh=mesh,
        compiler_params=pltpu.CompilerParams(use_tc_tiling_on_sc=False),
        out_type=jax.ShapeDtypeStruct((total_rows, d), jnp.float32),
        scratch_types=[
            pltpu.VMEM((rows_per_chunk_idx, 128), jnp.int32),
            pltpu.VMEM((chrows, d), jnp.float32),
            pltpu.SemaphoreType.DMA,
        ],
    )
    def k3(table_hbm, idx_hbm, out_hbm, idx_v, rows_v, sem):
        wid = lax.axis_index("s") * info.num_cores + lax.axis_index("c")
        base_row = wid * b_per_w
        base_irow = wid * (b_per_w // 128)

        def chunk(ch, carry):
            pltpu.sync_copy(
                idx_hbm.at[pl.ds(base_irow + ch * rows_per_chunk_idx,
                                 rows_per_chunk_idx)], idx_v)
            handles = []
            for r in range(rows_per_chunk_idx):
                handles.append(pltpu.async_copy(
                    table_hbm.at[idx_v.at[r]],
                    rows_v.at[pl.ds(r * 128, 128)], sem))
            for h in handles:
                h.wait()
            pltpu.sync_copy(rows_v,
                            out_hbm.at[pl.ds(base_row + ch * chrows, chrows)])
            return carry

        lax.fori_loop(0, nchunks, chunk, 0)

    return k3(table, idx2d)


def kernel(states_prev, log_weights_prev, observations, controls, A, B, C):
    n, m, d = states_prev.shape
    do = observations.shape[1]
    base_key = jax.random.key(42)
    noise = jax.random.normal(jax.random.fold_in(base_key, 0),
                              states_prev.shape, jnp.float32) * 0.1

    prevT = jnp.swapaxes(states_prev, 1, 2)
    noiseT = jnp.swapaxes(noise, 1, 2)

    mblk = 4096
    nmb = m // mblk
    dc = controls.shape[1]

    spn, a3 = pl.pallas_call(
        _k1a_body,
        grid=(n, nmb),
        in_specs=[
            pl.BlockSpec((1, mblk, d), lambda j, mb: (j, mb, 0)),
            pl.BlockSpec((1, d, mblk), lambda j, mb: (j, 0, mb)),
            pl.BlockSpec((1, mblk, d), lambda j, mb: (j, mb, 0)),
            pl.BlockSpec((1, d, mblk), lambda j, mb: (j, 0, mb)),
            pl.BlockSpec((1, 1, dc), lambda j, mb: (j, 0, 0)),
            pl.BlockSpec((1, dc, 1), lambda j, mb: (j, 0, 0)),
            pl.BlockSpec(A.shape, lambda j, mb: (0, 0)),
            pl.BlockSpec(A.shape, lambda j, mb: (0, 0)),
            pl.BlockSpec(B.shape, lambda j, mb: (0, 0)),
            pl.BlockSpec((B.shape[1], B.shape[0]), lambda j, mb: (0, 0)),
            pl.BlockSpec((do, d), lambda j, mb: (0, 0)),
            pl.BlockSpec((1, do, 1), lambda j, mb: (j, 0, 0)),
            pl.BlockSpec((1, 1, mblk), lambda j, mb: (j, 0, mb)),
        ],
        out_specs=[
            pl.BlockSpec((1, mblk, d), lambda j, mb: (j, mb, 0)),
            pl.BlockSpec((1, 1, mblk), lambda j, mb: (j, 0, mb)),
        ],
        out_shape=[
            jax.ShapeDtypeStruct((n, m, d), jnp.float32),
            jax.ShapeDtypeStruct((n, 1, m), jnp.float32),
        ],
    )(states_prev, prevT, noise, noiseT,
      controls.reshape(n, 1, -1), controls.reshape(n, -1, 1), A, A.T,
      B, B.T, C.T, observations.reshape(n, do, 1),
      log_weights_prev.reshape(n, 1, m))

    lw3 = pl.pallas_call(
        _k1b_body,
        grid=(n,),
        in_specs=[pl.BlockSpec((1, 1, m), lambda j: (j, 0, 0))],
        out_specs=pl.BlockSpec((1, 1, m), lambda j: (j, 0, 0)),
        out_shape=jax.ShapeDtypeStruct((n, 1, m), jnp.float32),
    )(a3)

    best3 = pl.pallas_call(
        _k1c_body,
        grid=(n, nmb),
        in_specs=[
            pl.BlockSpec((1, 1, mblk), lambda j, mb: (j, 0, mb)),
            pl.BlockSpec((1, mblk, d), lambda j, mb: (j, mb, 0)),
        ],
        out_specs=pl.BlockSpec((1, 1, d), lambda j, mb: (j, 0, 0)),
        out_shape=jax.ShapeDtypeStruct((n, 1, d), jnp.float32),
    )(lw3, spn)

    lw = lw3.reshape(n, m)
    best_states = best3.reshape(n, d)

    lwmax = jnp.max(lw, axis=1, keepdims=True)
    mask = lw >= (lwmax - _CUTOFF)
    fits = jnp.max(jnp.sum(mask, axis=1)) <= _KMAX

    def fast_path(_):
        masked = jnp.where(mask, lw, -jnp.inf)
        vals, inds = lax.top_k(masked, _KMAX)
        w = jnp.exp(-vals)
        thr = jnp.concatenate(
            [w[:, _CH::_CH] * _E_LB,
             jnp.full((n, 1), jnp.inf, jnp.float32)], axis=1)
        karr = inds.astype(jnp.int32).reshape(n, _KMAX, 1)
        warr = w.reshape(n, _KMAX, 1)
        kb, _ = _run_k2(karr, warr, thr, n, m, _KMAX)
        return kb

    def slow_path(_):
        thr = jnp.full((n, _KMAX // _CH), -jnp.inf, jnp.float32)
        kb = jnp.full((n, m), _KBIG, jnp.int32)
        mb = jnp.full((n, m), jnp.inf, jnp.float32)
        for s in range(m // _KMAX):
            karr = (lax.broadcasted_iota(jnp.int32, (n, _KMAX, 1), 1)
                    + s * _KMAX)
            warr = jnp.exp(-lax.dynamic_slice_in_dim(lw, s * _KMAX, _KMAX,
                                                     axis=1))
            ks, ms = _run_k2(karr, warr.reshape(n, _KMAX, 1), thr, n, m,
                             _KMAX)
            upd = (ms < mb) | ((ms == mb) & (ks < kb))
            kb = jnp.where(upd, ks, kb)
            mb = jnp.where(upd, ms, mb)
        return kb

    kidx = lax.cond(fits, fast_path, slow_path, operand=None)
    gidx = kidx + jnp.arange(n, dtype=jnp.int32)[:, None] * m

    table = spn.reshape(n * m, d)
    idx2d = gidx.reshape((n * m) // 128, 128)
    states = _sc_gather(table, idx2d, n * m, d).reshape(n, m, d)

    log_weights = jnp.zeros((n, m), jnp.float32) - jnp.log(float(m))
    return best_states, states, log_weights

# --- scband reference (transcript-rebuilt; emitter-appended) ---
"""Pipeline reference for scband-particle-filter-network-2911987827277 (READ-ONLY COPY).

The authoritative reference and input builder live on the scoring server;
editing this copy changes nothing except your own understanding.
"""

import jax, jax.numpy as jnp
import numpy as np

N, M, D, DC, DO = 64, 32768, 16, 8, 32


def setup_inputs(seed: int = 0) -> dict:
    key = jax.random.key(seed)
    ks = jax.random.split(key, 7)
    return {
        "states_prev": jax.random.normal(ks[0], (N, M, D), jnp.float32),
        "log_weights_prev": jax.random.normal(ks[1], (N, M), jnp.float32) * 0.1,
        "observations": jax.random.normal(ks[2], (N, DO), jnp.float32),
        "controls": jax.random.normal(ks[3], (N, DC), jnp.float32),
        "A": jax.random.normal(ks[4], (D, D), jnp.float32) / jnp.sqrt(D),
        "B": jax.random.normal(ks[5], (DC, D), jnp.float32) / jnp.sqrt(DC),
        "C": jax.random.normal(ks[6], (D, DO), jnp.float32) / jnp.sqrt(D),
    }


def reference(states_prev, log_weights_prev, observations, controls, A, B, C):
    n, m, d = states_prev.shape
    base_key = jax.random.key(42)
    # dynamics_model(states_prev, controls, noisy=True): linear dynamics + control + Gaussian noise
    noise = jax.random.normal(jax.random.fold_in(base_key, 0), states_prev.shape, jnp.float32) * 0.1
    states_pred = states_prev @ A + (controls @ B)[:, None, :] + noise
    # measurement_model(observations, states_pred): Gaussian log-likelihood of projected state
    diff = states_pred @ C - observations[:, None, :]
    meas_logp = -0.5 * jnp.sum(diff * diff, axis=-1)
    log_weights_pred = log_weights_prev + meas_logp
    log_weights_pred = log_weights_pred - jax.scipy.special.logsumexp(log_weights_pred, axis=1)[:, None]
    best_states = jnp.sum(jnp.exp(log_weights_pred)[:, :, None] * states_pred, axis=1)
    # resample=True, soft_resample_alpha == 1.0: multinomial resampling per row
    idx = jax.random.categorical(jax.random.fold_in(base_key, 1), log_weights_pred, axis=-1, shape=(m, n)).T
    states = jnp.take_along_axis(states_pred, idx[:, :, None], axis=1)
    log_weights = jnp.zeros_like(log_weights_pred) - jnp.log(float(m))
    return best_states, states, log_weights

if __name__ == "__main__":
    import jax
    _d = setup_inputs()
    print(jax.jit(kernel)(*tuple(_d.values())))

</pallas_src>

<mosaic_0001>
#map = affine_map<(d0, d1) -> (0, 0)>
module attributes {stable_mosaic.version = 14 : i64} {
  func.func @k3(%arg0: i32, %arg1: i32, %arg2: memref<2097152x16xf32, #tpu.memory_space<hbm>>, %arg3: memref<16384x128xi32, #tpu.memory_space<hbm>>, %arg4: memref<2097152x16xf32, #tpu.memory_space<hbm>>, %arg5: memref<16x128xi32, #tpu.memory_space<vmem>>, %arg6: memref<2048x16xf32, #tpu.memory_space<vmem>>, %arg7: memref<!tpu.dma_semaphore, #tpu.memory_space<semaphore_mem>>) attributes {dimension_semantics = [#tpu.dimension_semantics<core_parallel>, #tpu.dimension_semantics<subcore_parallel>], iteration_bounds = array<i64: 2, 16>, scalar_prefetch = 0 : i64, scratch_operands = 3 : i64, tpu.core_type = #tpu.core_type<sc_vector_subcore>, window_params = [{transform_indices = #map}, {transform_indices = #map}, {transform_indices = #map}]} {
    %mul3A = arith.constant 2 : i32
    %mul3A_0 = arith.muli %arg1, %mul3A : i32
    %add3A = arith.addi %mul3A_0, %arg0 : i32
    %mul3A_1 = arith.constant 65536 : i32
    %mul3A_2 = arith.muli %add3A, %mul3A_1 : i32
    %mul3A_3 = arith.constant 512 : i32
    %mul3A_4 = arith.muli %add3A, %mul3A_3 : i32
    %scan3A = arith.constant 0 : i32
    %scan3A_5 = arith.constant 0 : i32
    %scan3A_6 = arith.constant 32 : i32
    %scan3A_7 = arith.addi %scan3A_5, %scan3A_6 : i32
    %scan3A_8 = arith.constant 1 : i32
    scf.for %scan3A_10 = %scan3A_5 to %scan3A_7 step %scan3A_8  : i32 {
      %mul3A_11 = arith.constant 16 : i32
      %mul3A_12 = arith.muli %scan3A_10, %mul3A_11 : i32
      %add3A_13 = arith.addi %mul3A_4, %mul3A_12 : i32
      "tpu.region"() ({
        %run_scoped3A = tpu.sem_alloc : memref<!tpu.dma_semaphore, #tpu.memory_space<semaphore_mem>>
        %dma_start3A_335 = arith.constant 0 : i32
        %dma_start3A_336 = tpu.memref_slice %arg3[%add3A_13, %dma_start3A_335] : memref<16384x128xi32, #tpu.memory_space<hbm>> -> memref<16x128xi32, #tpu.memory_space<hbm>>
        %dma_start3A_337 = arith.constant 0 : i32
        %dma_start3A_338 = tpu.memref_slice %arg3[%add3A_13, %dma_start3A_337] : memref<16384x128xi32, #tpu.memory_space<hbm>> -> memref<16x128xi32, #tpu.memory_space<hbm>>
        tpu.enqueue_dma source(%dma_start3A_338 : memref<16x128xi32, #tpu.memory_space<hbm>>) target(%arg5 : memref<16x128xi32, #tpu.memory_space<vmem>>) target_semaphore(%run_scoped3A : memref<!tpu.dma_semaphore, #tpu.memory_space<semaphore_mem>>)
        %dma_wait3A_339 = arith.constant 0 : i32
        %dma_wait3A_340 = tpu.memref_slice %arg3[%add3A_13, %dma_wait3A_339] : memref<16384x128xi32, #tpu.memory_space<hbm>> -> memref<16x128xi32, #tpu.memory_space<hbm>>
        %dma_wait3A_341 = arith.constant 0 : i32
        %dma_wait3A_342 = tpu.memref_slice %arg3[%add3A_13, %dma_wait3A_341] : memref<16384x128xi32, #tpu.memory_space<hbm>> -> memref<16x128xi32, #tpu.memory_space<hbm>>
        tpu.wait_dma2 semaphore(%run_scoped3A : memref<!tpu.dma_semaphore, #tpu.memory_space<semaphore_mem>>) src(%dma_wait3A_342 : memref<16x128xi32, #tpu.memory_space<hbm>>) dst(%arg5 : memref<16x128xi32, #tpu.memory_space<vmem>>)
        tpu.yield
      }) : () -> ()
      %dma_start3A = arith.constant 0 : i32
      %dma_start3A_14 = arith.constant 0 : i32
      %dma_start3A_15 = arith.constant 0 : i32
      %dma_start3A_16 = tpu.memref_slice %arg6[%dma_start3A_14, %dma_start3A_15] : memref<2048x16xf32, #tpu.memory_space<vmem>> -> memref<128x16xf32, #tpu.memory_space<vmem>>
      %dma_start3A_17 = arith.constant 0 : i32
      %dma_start3A_18 = tpu.memref_slice %arg5[%dma_start3A, %dma_start3A_17] : memref<16x128xi32, #tpu.memory_space<vmem>> -> memref<1x128xi32, #tpu.memory_space<vmem>>
      %dma_start3A_19 = tpu.memref_squeeze %dma_start3A_18 : memref<1x128xi32, #tpu.memory_space<vmem>> -> memref<128xi32, #tpu.memory_space<vmem>>
      %dma_start3A_20 = arith.constant 0 : i32
      %dma_start3A_21 = arith.constant 0 : i32
      %dma_start3A_22 = tpu.memref_slice %arg2[%dma_start3A_20, %dma_start3A_21] : memref<2097152x16xf32, #tpu.memory_space<hbm>> -> memref<2097152x16xf32, #tpu.memory_space<hbm>>
      tpu.enqueue_indirect_dma source(%dma_start3A_22 : memref<2097152x16xf32, #tpu.memory_space<hbm>>) target(%dma_start3A_16 : memref<128x16xf32, #tpu.memory_space<vmem>>) offsets(%dma_start3A_19 : memref<128xi32, #tpu.memory_space<vmem>>) semaphore(%arg7 : memref<!tpu.dma_semaphore, #tpu.memory_space<semaphore_mem>>)
      %dma_start3A_23 = arith.constant 1 : i32
      %dma_start3A_24 = arith.constant 128 : i32
      %dma_start3A_25 = arith.constant 0 : i32
      %dma_start3A_26 = tpu.memref_slice %arg6[%dma_start3A_24, %dma_start3A_25] : memref<2048x16xf32, #tpu.memory_space<vmem>> -> memref<128x16xf32, #tpu.memory_space<vmem>>
      %dma_start3A_27 = arith.constant 0 : i32
      %dma_start3A_28 = tpu.memref_slice %arg5[%dma_start3A_23, %dma_start3A_27] : memref<16x128xi32, #tpu.memory_space<vmem>> -> memref<1x128xi32, #tpu.memory_space<vmem>>
      %dma_start3A_29 = tpu.memref_squeeze %dma_start3A_28 : memref<1x128xi32, #tpu.memory_space<vmem>> -> memref<128xi32, #tpu.memory_space<vmem>>
      %dma_start3A_30 = arith.constant 0 : i32
      %dma_start3A_31 = arith.constant 0 : i32
      %dma_start3A_32 = tpu.memref_slice %arg2[%dma_start3A_30, %dma_start3A_31] : memref<2097152x16xf32, #tpu.memory_space<hbm>> -> memref<2097152x16xf32, #tpu.memory_space<hbm>>
      tpu.enqueue_indirect_dma source(%dma_start3A_32 : memref<2097152x16xf32, #tpu.memory_space<hbm>>) target(%dma_start3A_26 : memref<128x16xf32, #tpu.memory_space<vmem>>) offsets(%dma_start3A_29 : memref<128xi32, #tpu.memory_space<vmem>>) semaphore(%arg7 : memref<!tpu.dma_semaphore, #tpu.memory_space<semaphore_mem>>)
      %dma_start3A_33 = arith.constant 2 : i32
      %dma_start3A_34 = arith.constant 256 : i32
      %dma_start3A_35 = arith.constant 0 : i32
      %dma_start3A_36 = tpu.memref_slice %arg6[%dma_start3A_34, %dma_start3A_35] : memref<2048x16xf32, #tpu.memory_space<vmem>> -> memref<128x16xf32, #tpu.memory_space<vmem>>
      %dma_start3A_37 = arith.constant 0 : i32
      %dma_start3A_38 = tpu.memref_slice %arg5[%dma_start3A_33, %dma_start3A_37] : memref<16x128xi32, #tpu.memory_space<vmem>> -> memref<1x128xi32, #tpu.memory_space<vmem>>
      %dma_start3A_39 = tpu.memref_squeeze %dma_start3A_38 : memref<1x128xi32, #tpu.memory_space<vmem>> -> memref<128xi32, #tpu.memory_space<vmem>>
      %dma_start3A_40 = arith.constant 0 : i32
      %dma_start3A_41 = arith.constant 0 : i32
      %dma_start3A_42 = tpu.memref_slice %arg2[%dma_start3A_40, %dma_start3A_41] : memref<2097152x16xf32, #tpu.memory_space<hbm>> -> memref<2097152x16xf32, #tpu.memory_space<hbm>>
      tpu.enqueue_indirect_dma source(%dma_start3A_42 : memref<2097152x16xf32, #tpu.memory_space<hbm>>) target(%dma_start3A_36 : memref<128x16xf32, #tpu.memory_space<vmem>>) offsets(%dma_start3A_39 : memref<128xi32, #tpu.memory_space<vmem>>) semaphore(%arg7 : memref<!tpu.dma_semaphore, #tpu.memory_space<semaphore_mem>>)
      %dma_start3A_43 = arith.constant 3 : i32
      %dma_start3A_44 = arith.constant 384 : i32
      %dma_start3A_45 = arith.constant 0 : i32
      %dma_start3A_46 = tpu.memref_slice %arg6[%dma_start3A_44, %dma_start3A_45] : memref<2048x16xf32, #tpu.memory_space<vmem>> -> memref<128x16xf32, #tpu.memory_space<vmem>>
      %dma_start3A_47 = arith.constant 0 : i32
      %dma_start3A_48 = tpu.memref_slice %arg5[%dma_start3A_43, %dma_start3A_47] : memref<16x128xi32, #tpu.memory_space<vmem>> -> memref<1x128xi32, #tpu.memory_space<vmem>>
      %dma_start3A_49 = tpu.memref_squeeze %dma_start3A_48 : memref<1x128xi32, #tpu.memory_space<vmem>> -> memref<128xi32, #tpu.memory_space<vmem>>
      %dma_start3A_50 = arith.constant 0 : i32
      %dma_start3A_51 = arith.constant 0 : i32
      %dma_start3A_52 = tpu.memref_slice %arg2[%dma_start3A_50, %dma_start3A_51] : memref<2097152x16xf32, #tpu.memory_space<hbm>> -> memref<2097152x16xf32, #tpu.memory_space<hbm>>
      tpu.enqueue_indirect_dma source(%dma_start3A_52 : memref<2097152x16xf32, #tpu.memory_space<hbm>>) target(%dma_start3A_46 : memref<128x16xf32, #tpu.memory_space<vmem>>) offsets(%dma_start3A_49 : memref<128xi32, #tpu.memory_space<vmem>>) semaphore(%arg7 : memref<!tpu.dma_semaphore, #tpu.memory_space<semaphore_mem>>)
      %dma_start3A_53 = arith.constant 4 : i32
      %dma_start3A_54 = arith.constant 512 : i32
      %dma_start3A_55 = arith.constant 0 : i32
      %dma_start3A_56 = tpu.memref_slice %arg6[%dma_start3A_54, %dma_start3A_55] : memref<2048x16xf32, #tpu.memory_space<vmem>> -> memref<128x16xf32, #tpu.memory_space<vmem>>
      %dma_start3A_57 = arith.constant 0 : i32
      %dma_start3A_58 = tpu.memref_slice %arg5[%dma_start3A_53, %dma_start3A_57] : memref<16x128xi32, #tpu.memory_space<vmem>> -> memref<1x128xi32, #tpu.memory_space<vmem>>
      %dma_start3A_59 = tpu.memref_squeeze %dma_start3A_58 : memref<1x128xi32, #tpu.memory_space<vmem>> -> memref<128xi32, #tpu.memory_space<vmem>>
      %dma_start3A_60 = arith.constant 0 : i32
      %dma_start3A_61 = arith.constant 0 : i32
      %dma_start3A_62 = tpu.memref_slice %arg2[%dma_start3A_60, %dma_start3A_61] : memref<2097152x16xf32, #tpu.memory_space<hbm>> -> memref<2097152x16xf32, #tpu.memory_space<hbm>>
      tpu.enqueue_indirect_dma source(%dma_start3A_62 : memref<2097152x16xf32, #tpu.memory_space<hbm>>) target(%dma_start3A_56 : memref<128x16xf32, #tpu.memory_space<vmem>>) offsets(%dma_start3A_59 : memref<128xi32, #tpu.memory_space<vmem>>) semaphore(%arg7 : memref<!tpu.dma_semaphore, #tpu.memory_space<semaphore_mem>>)
      %dma_start3A_63 = arith.constant 5 : i32
      %dma_start3A_64 = arith.constant 640 : i32
      %dma_start3A_65 = arith.constant 0 : i32
      %dma_start3A_66 = tpu.memref_slice %arg6[%dma_start3A_64, %dma_start3A_65] : memref<2048x16xf32, #tpu.memory_space<vmem>> -> memref<128x16xf32, #tpu.memory_space<vmem>>
      %dma_start3A_67 = arith.constant 0 : i32
      %dma_start3A_68 = tpu.memref_slice %arg5[%dma_start3A_63, %dma_start3A_67] : memref<16x128xi32, #tpu.memory_space<vmem>> -> memref<1x128xi32, #tpu.memory_space<vmem>>
      %dma_start3A_69 = tpu.memref_squeeze %dma_start3A_68 : memref<1x128xi32, #tpu.memory_space<vmem>> -> memref<128xi32, #tpu.memory_space<vmem>>
      %dma_start3A_70 = arith.constant 0 : i32
      %dma_start3A_71 = arith.constant 0 : i32
      %dma_start3A_72 = tpu.memref_slice %arg2[%dma_start3A_70, %dma_start3A_71] : memref<2097152x16xf32, #tpu.memory_space<hbm>> -> memref<2097152x16xf32, #tpu.memory_space<hbm>>
      tpu.enqueue_indirect_dma source(%dma_start3A_72 : memref<2097152x16xf32, #tpu.memory_space<hbm>>) target(%dma_start3A_66 : memref<128x16xf32, #tpu.memory_space<vmem>>) offsets(%dma_start3A_69 : memref<128xi32, #tpu.memory_space<vmem>>) semaphore(%arg7 : memref<!tpu.dma_semaphore, #tpu.memory_space<semaphore_mem>>)
      %dma_start3A_73 = arith.constant 6 : i32
      %dma_start3A_74 = arith.constant 768 : i32
      %dma_start3A_75 = arith.constant 0 : i32
      %dma_start3A_76 = tpu.memref_slice %arg6[%dma_start3A_74, %dma_start3A_75] : memref<2048x16xf32, #tpu.memory_space<vmem>> -> memref<128x16xf32, #tpu.memory_space<vmem>>
      %dma_start3A_77 = arith.constant 0 : i32
      %dma_start3A_78 = tpu.memref_slice %arg5[%dma_start3A_73, %dma_start3A_77] : memref<16x128xi32, #tpu.memory_space<vmem>> -> memref<1x128xi32, #tpu.memory_space<vmem>>
      %dma_start3A_79 = tpu.memref_squeeze %dma_start3A_78 : memref<1x128xi32, #tpu.memory_space<vmem>> -> memref<128xi32, #tpu.memory_space<vmem>>
      %dma_start3A_80 = arith.constant 0 : i32
      %dma_start3A_81 = arith.constant 0 : i32
      %dma_start3A_82 = tpu.memref_slice %arg2[%dma_start3A_80, %dma_start3A_81] : memref<2097152x16xf32, #tpu.memory_space<hbm>> -> memref<2097152x16xf32, #tpu.memory_space<hbm>>
      tpu.enqueue_indirect_dma source(%dma_start3A_82 : memref<2097152x16xf32, #tpu.memory_space<hbm>>) target(%dma_start3A_76 : memref<128x16xf32, #tpu.memory_space<vmem>>) offsets(%dma_start3A_79 : memref<128xi32, #tpu.memory_space<vmem>>) semaphore(%arg7 : memref<!tpu.dma_semaphore, #tpu.memory_space<semaphore_mem>>)
      %dma_start3A_83 = arith.constant 7 : i32
      %dma_start3A_84 = arith.constant 896 : i32
      %dma_start3A_85 = arith.constant 0 : i32
      %dma_start3A_86 = tpu.memref_slice %arg6[%dma_start3A_84, %dma_start3A_85] : memref<2048x16xf32, #tpu.memory_space<vmem>> -> memref<128x16xf32, #tpu.memory_space<vmem>>
      %dma_start3A_87 = arith.constant 0 : i32
      %dma_start3A_88 = tpu.memref_slice %arg5[%dma_start3A_83, %dma_start3A_87] : memref<16x128xi32, #tpu.memory_space<vmem>> -> memref<1x128xi32, #tpu.memory_space<vmem>>
      %dma_start3A_89 = tpu.memref_squeeze %dma_start3A_88 : memref<1x128xi32, #tpu.memory_space<vmem>> -> memref<128xi32, #tpu.memory_space<vmem>>
      %dma_start3A_90 = arith.constant 0 : i32
      %dma_start3A_91 = arith.constant 0 : i32
      %dma_start3A_92 = tpu.memref_slice %arg2[%dma_start3A_90, %dma_start3A_91] : memref<2097152x16xf32, #tpu.memory_space<hbm>> -> memref<2097152x16xf32, #tpu.memory_space<hbm>>
      tpu.enqueue_indirect_dma source(%dma_start3A_92 : memref<2097152x16xf32, #tpu.memory_space<hbm>>) target(%dma_start3A_86 : memref<128x16xf32, #tpu.memory_space<vmem>>) offsets(%dma_start3A_89 : memref<128xi32, #tpu.memory_space<vmem>>) semaphore(%arg7 : memref<!tpu.dma_semaphore, #tpu.memory_space<semaphore_mem>>)
      %dma_start3A_93 = arith.constant 8 : i32
      %dma_start3A_94 = arith.constant 1024 : i32
      %dma_start3A_95 = arith.constant 0 : i32
      %dma_start3A_96 = tpu.memref_slice %arg6[%dma_start3A_94, %dma_start3A_95] : memref<2048x16xf32, #tpu.memory_space<vmem>> -> memref<128x16xf32, #tpu.memory_space<vmem>>
      %dma_start3A_97 = arith.constant 0 : i32
      %dma_start3A_98 = tpu.memref_slice %arg5[%dma_start3A_93, %dma_start3A_97] : memref<16x128xi32, #tpu.memory_space<vmem>> -> memref<1x128xi32, #tpu.memory_space<vmem>>
      %dma_start3A_99 = tpu.memref_squeeze %dma_start3A_98 : memref<1x128xi32, #tpu.memory_space<vmem>> -> memref<128xi32, #tpu.memory_space<vmem>>
      %dma_start3A_100 = arith.constant 0 : i32
      %dma_start3A_101 = arith.constant 0 : i32
      %dma_start3A_102 = tpu.memref_slice %arg2[%dma_start3A_100, %dma_start3A_101] : memref<2097152x16xf32, #tpu.memory_space<hbm>> -> memref<2097152x16xf32, #tpu.memory_space<hbm>>
      tpu.enqueue_indirect_dma source(%dma_start3A_102 : memref<2097152x16xf32, #tpu.memory_space<hbm>>) target(%dma_start3A_96 : memref<128x16xf32, #tpu.memory_space<vmem>>) offsets(%dma_start3A_99 : memref<128xi32, #tpu.memory_space<vmem>>) semaphore(%arg7 : memref<!tpu.dma_semaphore, #tpu.memory_space<semaphore_mem>>)
      %dma_start3A_103 = arith.constant 9 : i32
      %dma_start3A_104 = arith.constant 1152 : i32
      %dma_start3A_105 = arith.constant 0 : i32
      %dma_start3A_106 = tpu.memref_slice %arg6[%dma_start3A_104, %dma_start3A_105] : memref<2048x16xf32, #tpu.memory_space<vmem>> -> memref<128x16xf32, #tpu.memory_space<vmem>>
      %dma_start3A_107 = arith.constant 0 : i32
      %dma_start3A_108 = tpu.memref_slice %arg5[%dma_start3A_103, %dma_start3A_107] : memref<16x128xi32, #tpu.memory_space<vmem>> -> memref<1x128xi32, #tpu.memory_space<vmem>>
      %dma_start3A_109 = tpu.memref_squeeze %dma_start3A_108 : memref<1x128xi32, #tpu.memory_space<vmem>> -> memref<128xi32, #tpu.memory_space<vmem>>
      %dma_start3A_110 = arith.constant 0 : i32
      %dma_start3A_111 = arith.constant 0 : i32
      %dma_start3A_112 = tpu.memref_slice %arg2[%dma_start3A_110, %dma_start3A_111] : memref<2097152x16xf32, #tpu.memory_space<hbm>> -> memref<2097152x16xf32, #tpu.memory_space<hbm>>
      tpu.enqueue_indirect_dma source(%dma_start3A_112 : memref<2097152x16xf32, #tpu.memory_space<hbm>>) target(%dma_start3A_106 : memref<128x16xf32, #tpu.memory_space<vmem>>) offsets(%dma_start3A_109 : memref<128xi32, #tpu.memory_space<vmem>>) semaphore(%arg7 : memref<!tpu.dma_semaphore, #tpu.memory_space<semaphore_mem>>)
      %dma_start3A_113 = arith.constant 10 : i32
      %dma_start3A_114 = arith.constant 1280 : i32
      %dma_start3A_115 = arith.constant 0 : i32
      %dma_start3A_116 = tpu.memref_slice %arg6[%dma_start3A_114, %dma_start3A_115] : memref<2048x16xf32, #tpu.memory_space<vmem>> -> memref<128x16xf32, #tpu.memory_space<vmem>>
      %dma_start3A_117 = arith.constant 0 : i32
      %dma_start3A_118 = tpu.memref_slice %arg5[%dma_start3A_113, %dma_start3A_117] : memref<16x128xi32, #tpu.memory_space<vmem>> -> memref<1x128xi32, #tpu.memory_space<vmem>>
      %dma_start3A_119 = tpu.memref_squeeze %dma_start3A_118 : memref<1x128xi32, #tpu.memory_space<vmem>> -> memref<128xi32, #tpu.memory_space<vmem>>
      %dma_start3A_120 = arith.constant 0 : i32
      %dma_start3A_121 = arith.constant 0 : i32
      %dma_start3A_122 = tpu.memref_slice %arg2[%dma_start3A_120, %dma_start3A_121] : memref<2097152x16xf32, #tpu.memory_space<hbm>> -> memref<2097152x16xf32, #tpu.memory_space<hbm>>
      tpu.enqueue_indirect_dma source(%dma_start3A_122 : memref<2097152x16xf32, #tpu.memory_space<hbm>>) target(%dma_start3A_116 : memref<128x16xf32, #tpu.memory_space<vmem>>) offsets(%dma_start3A_119 : memref<128xi32, #tpu.memory_space<vmem>>) semaphore(%arg7 : memref<!tpu.dma_semaphore, #tpu.memory_space<semaphore_mem>>)
      %dma_start3A_123 = arith.constant 11 : i32
      %dma_start3A_124 = arith.constant 1408 : i32
      %dma_start3A_125 = arith.constant 0 : i32
      %dma_start3A_126 = tpu.memref_slice %arg6[%dma_start3A_124, %dma_start3A_125] : memref<2048x16xf32, #tpu.memory_space<vmem>> -> memref<128x16xf32, #tpu.memory_space<vmem>>
      %dma_start3A_127 = arith.constant 0 : i32
      %dma_start3A_128 = tpu.memref_slice %arg5[%dma_start3A_123, %dma_start3A_127] : memref<16x128xi32, #tpu.memory_space<vmem>> -> memref<1x128xi32, #tpu.memory_space<vmem>>
      %dma_start3A_129 = tpu.memref_squeeze %dma_start3A_128 : memref<1x128xi32, #tpu.memory_space<vmem>> -> memref<128xi32, #tpu.memory_space<vmem>>
      %dma_start3A_130 = arith.constant 0 : i32
      %dma_start3A_131 = arith.constant 0 : i32
      %dma_start3A_132 = tpu.memref_slice %arg2[%dma_start3A_130, %dma_start3A_131] : memref<2097152x16xf32, #tpu.memory_space<hbm>> -> memref<2097152x16xf32, #tpu.memory_space<hbm>>
      tpu.enqueue_indirect_dma source(%dma_start3A_132 : memref<2097152x16xf32, #tpu.memory_space<hbm>>) target(%dma_start3A_126 : memref<128x16xf32, #tpu.memory_space<vmem>>) offsets(%dma_start3A_129 : memref<128xi32, #tpu.memory_space<vmem>>) semaphore(%arg7 : memref<!tpu.dma_semaphore, #tpu.memory_space<semaphore_mem>>)
      %dma_start3A_133 = arith.constant 12 : i32
      %dma_start3A_134 = arith.constant 1536 : i32
      %dma_start3A_135 = arith.constant 0 : i32
      %dma_start3A_136 = tpu.memref_slice %arg6[%dma_start3A_134, %dma_start3A_135] : memref<2048x16xf32, #tpu.memory_space<vmem>> -> memref<128x16xf32, #tpu.memory_space<vmem>>
      %dma_start3A_137 = arith.constant 0 : i32
      %dma_start3A_138 = tpu.memref_slice %arg5[%dma_start3A_133, %dma_start3A_137] : memref<16x128xi32, #tpu.memory_space<vmem>> -> memref<1x128xi32, #tpu.memory_space<vmem>>
      %dma_start3A_139 = tpu.memref_squeeze %dma_start3A_138 : memref<1x128xi32, #tpu.memory_space<vmem>> -> memref<128xi32, #tpu.memory_space<vmem>>
      %dma_start3A_140 = arith.constant 0 : i32
      %dma_start3A_141 = arith.constant 0 : i32
      %dma_start3A_142 = tpu.memref_slice %arg2[%dma_start3A_140, %dma_start3A_141] : memref<2097152x16xf32, #tpu.memory_space<hbm>> -> memref<2097152x16xf32, #tpu.memory_space<hbm>>
      tpu.enqueue_indirect_dma source(%dma_start3A_142 : memref<2097152x16xf32, #tpu.memory_space<hbm>>) target(%dma_start3A_136 : memref<128x16xf32, #tpu.memory_space<vmem>>) offsets(%dma_start3A_139 : memref<128xi32, #tpu.memory_space<vmem>>) semaphore(%arg7 : memref<!tpu.dma_semaphore, #tpu.memory_space<semaphore_mem>>)
      %dma_start3A_143 = arith.constant 13 : i32
      %dma_start3A_144 = arith.constant 1664 : i32
      %dma_start3A_145 = arith.constant 0 : i32
      %dma_start3A_146 = tpu.memref_slice %arg6[%dma_start3A_144, %dma_start3A_145] : memref<2048x16xf32, #tpu.memory_space<vmem>> -> memref<128x16xf32, #tpu.memory_space<vmem>>
      %dma_start3A_147 = arith.constant 0 : i32
      %dma_start3A_148 = tpu.memref_slice %arg5[%dma_start3A_143, %dma_start3A_147] : memref<16x128xi32, #tpu.memory_space<vmem>> -> memref<1x128xi32, #tpu.memory_space<vmem>>
      %dma_start3A_149 = tpu.memref_squeeze %dma_start3A_148 : memref<1x128xi32, #tpu.memory_space<vmem>> -> memref<128xi32, #tpu.memory_space<vmem>>
      %dma_start3A_150 = arith.constant 0 : i32
      %dma_start3A_151 = arith.constant 0 : i32
      %dma_start3A_152 = tpu.memref_slice %arg2[%dma_start3A_150, %dma_start3A_151] : memref<2097152x16xf32, #tpu.memory_space<hbm>> -> memref<2097152x16xf32, #tpu.memory_space<hbm>>
      tpu.enqueue_indirect_dma source(%dma_start3A_152 : memref<2097152x16xf32, #tpu.memory_space<hbm>>) target(%dma_start3A_146 : memref<128x16xf32, #tpu.memory_space<vmem>>) offsets(%dma_start3A_149 : memref<128xi32, #tpu.memory_space<vmem>>) semaphore(%arg7 : memref<!tpu.dma_semaphore, #tpu.memory_space<semaphore_mem>>)
      %dma_start3A_153 = arith.constant 14 : i32
      %dma_start3A_154 = arith.constant 1792 : i32
      %dma_start3A_155 = arith.constant 0 : i32
      %dma_start3A_156 = tpu.memref_slice %arg6[%dma_start3A_154, %dma_start3A_155] : memref<2048x16xf32, #tpu.memory_space<vmem>> -> memref<128x16xf32, #tpu.memory_space<vmem>>
      %dma_start3A_157 = arith.constant 0 : i32
      %dma_start3A_158 = tpu.memref_slice %arg5[%dma_start3A_153, %dma_start3A_157] : memref<16x128xi32, #tpu.memory_space<vmem>> -> memref<1x128xi32, #tpu.memory_space<vmem>>
      %dma_start3A_159 = tpu.memref_squeeze %dma_start3A_158 : memref<1x128xi32, #tpu.memory_space<vmem>> -> memref<128xi32, #tpu.memory_space<vmem>>
      %dma_start3A_160 = arith.constant 0 : i32
      %dma_start3A_161 = arith.constant 0 : i32
      %dma_start3A_162 = tpu.memref_slice %arg2[%dma_start3A_160, %dma_start3A_161] : memref<2097152x16xf32, #tpu.memory_space<hbm>> -> memref<2097152x16xf32, #tpu.memory_space<hbm>>
      tpu.enqueue_indirect_dma source(%dma_start3A_162 : memref<2097152x16xf32, #tpu.memory_space<hbm>>) target(%dma_start3A_156 : memref<128x16xf32, #tpu.memory_space<vmem>>) offsets(%dma_start3A_159 : memref<128xi32, #tpu.memory_space<vmem>>) semaphore(%arg7 : memref<!tpu.dma_semaphore, #tpu.memory_space<semaphore_mem>>)
      %dma_start3A_163 = arith.constant 15 : i32
      %dma_start3A_164 = arith.constant 1920 : i32
      %dma_start3A_165 = arith.constant 0 : i32
      %dma_start3A_166 = tpu.memref_slice %arg6[%dma_start3A_164, %dma_start3A_165] : memref<2048x16xf32, #tpu.memory_space<vmem>> -> memref<128x16xf32, #tpu.memory_space<vmem>>
      %dma_start3A_167 = arith.constant 0 : i32
      %dma_start3A_168 = tpu.memref_slice %arg5[%dma_start3A_163, %dma_start3A_167] : memref<16x128xi32, #tpu.memory_space<vmem>> -> memref<1x128xi32, #tpu.memory_space<vmem>>
      %dma_start3A_169 = tpu.memref_squeeze %dma_start3A_168 : memref<1x128xi32, #tpu.memory_space<vmem>> -> memref<128xi32, #tpu.memory_space<vmem>>
      %dma_start3A_170 = arith.constant 0 : i32
      %dma_start3A_171 = arith.constant 0 : i32
      %dma_start3A_172 = tpu.memref_slice %arg2[%dma_start3A_170, %dma_start3A_171] : memref<2097152x16xf32, #tpu.memory_space<hbm>> -> memref<2097152x16xf32, #tpu.memory_space<hbm>>
      tpu.enqueue_indirect_dma source(%dma_start3A_172 : memref<2097152x16xf32, #tpu.memory_space<hbm>>) target(%dma_start3A_166 : memref<128x16xf32, #tpu.memory_space<vmem>>) offsets(%dma_start3A_169 : memref<128xi32, #tpu.memory_space<vmem>>) semaphore(%arg7 : memref<!tpu.dma_semaphore, #tpu.memory_space<semaphore_mem>>)
      %dma_wait3A = arith.constant 0 : i32
      %dma_wait3A_173 = arith.constant 0 : i32
      %dma_wait3A_174 = arith.constant 0 : i32
      %dma_wait3A_175 = tpu.memref_slice %arg6[%dma_wait3A_173, %dma_wait3A_174] : memref<2048x16xf32, #tpu.memory_space<vmem>> -> memref<128x16xf32, #tpu.memory_space<vmem>>
      %dma_wait3A_176 = arith.constant 0 : i32
      %dma_wait3A_177 = tpu.memref_slice %arg5[%dma_wait3A, %dma_wait3A_176] : memref<16x128xi32, #tpu.memory_space<vmem>> -> memref<1x128xi32, #tpu.memory_space<vmem>>
      %dma_wait3A_178 = tpu.memref_squeeze %dma_wait3A_177 : memref<1x128xi32, #tpu.memory_space<vmem>> -> memref<128xi32, #tpu.memory_space<vmem>>
      %dma_wait3A_179 = arith.constant 0 : i32
      %dma_wait3A_180 = arith.constant 0 : i32
      %dma_wait3A_181 = tpu.memref_slice %arg2[%dma_wait3A_179, %dma_wait3A_180] : memref<2097152x16xf32, #tpu.memory_space<hbm>> -> memref<2097152x16xf32, #tpu.memory_space<hbm>>
      tpu.wait_indirect_dma semaphore(%arg7 : memref<!tpu.dma_semaphore, #tpu.memory_space<semaphore_mem>>) src(%dma_wait3A_181 : memref<2097152x16xf32, #tpu.memory_space<hbm>>) dst(%dma_wait3A_175 : memref<128x16xf32, #tpu.memory_space<vmem>>)
      %dma_wait3A_182 = arith.constant 1 : i32
      %dma_wait3A_183 = arith.constant 128 : i32
      %dma_wait3A_184 = arith.constant 0 : i32
      %dma_wait3A_185 = tpu.memref_slice %arg6[%dma_wait3A_183, %dma_wait3A_184] : memref<2048x16xf32, #tpu.memory_space<vmem>> -> memref<128x16xf32, #tpu.memory_space<vmem>>
      %dma_wait3A_186 = arith.constant 0 : i32
      %dma_wait3A_187 = tpu.memref_slice %arg5[%dma_wait3A_182, %dma_wait3A_186] : memref<16x128xi32, #tpu.memory_space<vmem>> -> memref<1x128xi32, #tpu.memory_space<vmem>>
      %dma_wait3A_188 = tpu.memref_squeeze %dma_wait3A_187 : memref<1x128xi32, #tpu.memory_space<vmem>> -> memref<128xi32, #tpu.memory_space<vmem>>
      %dma_wait3A_189 = arith.constant 0 : i32
      %dma_wait3A_190 = arith.constant 0 : i32
      %dma_wait3A_191 = tpu.memref_slice %arg2[%dma_wait3A_189, %dma_wait3A_190] : memref<2097152x16xf32, #tpu.memory_space<hbm>> -> memref<2097152x16xf32, #tpu.memory_space<hbm>>
      tpu.wait_indirect_dma semaphore(%arg7 : memref<!tpu.dma_semaphore, #tpu.memory_space<semaphore_mem>>) src(%dma_wait3A_191 : memref<2097152x16xf32, #tpu.memory_space<hbm>>) dst(%dma_wait3A_185 : memref<128x16xf32, #tpu.memory_space<vmem>>)
      %dma_wait3A_192 = arith.constant 2 : i32
      %dma_wait3A_193 = arith.constant 256 : i32
      %dma_wait3A_194 = arith.constant 0 : i32
      %dma_wait3A_195 = tpu.memref_slice %arg6[%dma_wait3A_193, %dma_wait3A_194] : memref<2048x16xf32, #tpu.memory_space<vmem>> -> memref<128x16xf32, #tpu.memory_space<vmem>>
      %dma_wait3A_196 = arith.constant 0 : i32
      %dma_wait3A_197 = tpu.memref_slice %arg5[%dma_wait3A_192, %dma_wait3A_196] : memref<16x128xi32, #tpu.memory_space<vmem>> -> memref<1x128xi32, #tpu.memory_space<vmem>>
      %dma_wait3A_198 = tpu.memref_squeeze %dma_wait3A_197 : memref<1x128xi32, #tpu.memory_space<vmem>> -> memref<128xi32, #tpu.memory_space<vmem>>
      %dma_wait3A_199 = arith.constant 0 : i32
      %dma_wait3A_200 = arith.constant 0 : i32
      %dma_wait3A_201 = tpu.memref_slice %arg2[%dma_wait3A_199, %dma_wait3A_200] : memref<2097152x16xf32, #tpu.memory_space<hbm>> -> memref<2097152x16xf32, #tpu.memory_space<hbm>>
      tpu.wait_indirect_dma semaphore(%arg7 : memref<!tpu.dma_semaphore, #tpu.memory_space<semaphore_mem>>) src(%dma_wait3A_201 : memref<2097152x16xf32, #tpu.memory_space<hbm>>) dst(%dma_wait3A_195 : memref<128x16xf32, #tpu.memory_space<vmem>>)
      %dma_wait3A_202 = arith.constant 3 : i32
      %dma_wait3A_203 = arith.constant 384 : i32
      %dma_wait3A_204 = arith.constant 0 : i32
      %dma_wait3A_205 = tpu.memref_slice %arg6[%dma_wait3A_203, %dma_wait3A_204] : memref<2048x16xf32, #tpu.memory_space<vmem>> -> memref<128x16xf32, #tpu.memory_space<vmem>>
      %dma_wait3A_206 = arith.constant 0 : i32
      %dma_wait3A_207 = tpu.memref_slice %arg5[%dma_wait3A_202, %dma_wait3A_206] : memref<16x128xi32, #tpu.memory_space<vmem>> -> memref<1x128xi32, #tpu.memory_space<vmem>>
      %dma_wait3A_208 = tpu.memref_squeeze %dma_wait3A_207 : memref<1x128xi32, #tpu.memory_space<vmem>> -> memref<128xi32, #tpu.memory_space<vmem>>
      %dma_wait3A_209 = arith.constant 0 : i32
      %dma_wait3A_210 = arith.constant 0 : i32
      %dma_wait3A_211 = tpu.memref_slice %arg2[%dma_wait3A_209, %dma_wait3A_210] : memref<2097152x16xf32, #tpu.memory_space<hbm>> -> memref<2097152x16xf32, #tpu.memory_space<hbm>>
      tpu.wait_indirect_dma semaphore(%arg7 : memref<!tpu.dma_semaphore, #tpu.memory_space<semaphore_mem>>) src(%dma_wait3A_211 : memref<2097152x16xf32, #tpu.memory_space<hbm>>) dst(%dma_wait3A_205 : memref<128x16xf32, #tpu.memory_space<vmem>>)
      %dma_wait3A_212 = arith.constant 4 : i32
      %dma_wait3A_213 = arith.constant 512 : i32
      %dma_wait3A_214 = arith.constant 0 : i32
      %dma_wait3A_215 = tpu.memref_slice %arg6[%dma_wait3A_213, %dma_wait3A_214] : memref<2048x16xf32, #tpu.memory_space<vmem>> -> memref<128x16xf32, #tpu.memory_space<vmem>>
      %dma_wait3A_216 = arith.constant 0 : i32
      %dma_wait3A_217 = tpu.memref_slice %arg5[%dma_wait3A_212, %dma_wait3A_216] : memref<16x128xi32, #tpu.memory_space<vmem>> -> memref<1x128xi32, #tpu.memory_space<vmem>>
      %dma_wait3A_218 = tpu.memref_squeeze %dma_wait3A_217 : memref<1x128xi32, #tpu.memory_space<vmem>> -> memref<128xi32, #tpu.memory_space<vmem>>
      %dma_wait3A_219 = arith.constant 0 : i32
      %dma_wait3A_220 = arith.constant 0 : i32
      %dma_wait3A_221 = tpu.memref_slice %arg2[%dma_wait3A_219, %dma_wait3A_220] : memref<2097152x16xf32, #tpu.memory_space<hbm>> -> memref<2097152x16xf32, #tpu.memory_space<hbm>>
      tpu.wait_indirect_dma semaphore(%arg7 : memref<!tpu.dma_semaphore, #tpu.memory_space<semaphore_mem>>) src(%dma_wait3A_221 : memref<2097152x16xf32, #tpu.memory_space<hbm>>) dst(%dma_wait3A_215 : memref<128x16xf32, #tpu.memory_space<vmem>>)
      %dma_wait3A_222 = arith.constant 5 : i32
      %dma_wait3A_223 = arith.constant 640 : i32
      %dma_wait3A_224 = arith.constant 0 : i32
      %dma_wait3A_225 = tpu.memref_slice %arg6[%dma_wait3A_223, %dma_wait3A_224] : memref<2048x16xf32, #tpu.memory_space<vmem>> -> memref<128x16xf32, #tpu.memory_space<vmem>>
      %dma_wait3A_226 = arith.constant 0 : i32
      %dma_wait3A_227 = tpu.memref_slice %arg5[%dma_wait3A_222, %dma_wait3A_226] : memref<16x128xi32, #tpu.memory_space<vmem>> -> memref<1x128xi32, #tpu.memory_space<vmem>>
      %dma_wait3A_228 = tpu.memref_squeeze %dma_wait3A_227 : memref<1x128xi32, #tpu.memory_space<vmem>> -> memref<128xi32, #tpu.memory_space<vmem>>
      %dma_wait3A_229 = arith.constant 0 : i32
      %dma_wait3A_230 = arith.constant 0 : i32
      %dma_wait3A_231 = tpu.memref_slice %arg2[%dma_wait3A_229, %dma_wait3A_230] : memref<2097152x16xf32, #tpu.memory_space<hbm>> -> memref<2097152x16xf32, #tpu.memory_space<hbm>>
      tpu.wait_indirect_dma semaphore(%arg7 : memref<!tpu.dma_semaphore, #tpu.memory_space<semaphore_mem>>) src(%dma_wait3A_231 : memref<2097152x16xf32, #tpu.memory_space<hbm>>) dst(%dma_wait3A_225 : memref<128x16xf32, #tpu.memory_space<vmem>>)
      %dma_wait3A_232 = arith.constant 6 : i32
      %dma_wait3A_233 = arith.constant 768 : i32
      %dma_wait3A_234 = arith.constant 0 : i32
      %dma_wait3A_235 = tpu.memref_slice %arg6[%dma_wait3A_233, %dma_wait3A_234] : memref<2048x16xf32, #tpu.memory_space<vmem>> -> memref<128x16xf32, #tpu.memory_space<vmem>>
      %dma_wait3A_236 = arith.constant 0 : i32
      %dma_wait3A_237 = tpu.memref_slice %arg5[%dma_wait3A_232, %dma_wait3A_236] : memref<16x128xi32, #tpu.memory_space<vmem>> -> memref<1x128xi32, #tpu.memory_space<vmem>>
      %dma_wait3A_238 = tpu.memref_squeeze %dma_wait3A_237 : memref<1x128xi32, #tpu.memory_space<vmem>> -> memref<128xi32, #tpu.memory_space<vmem>>
      %dma_wait3A_239 = arith.constant 0 : i32
      %dma_wait3A_240 = arith.constant 0 : i32
      %dma_wait3A_241 = tpu.memref_slice %arg2[%dma_wait3A_239, %dma_wait3A_240] : memref<2097152x16xf32, #tpu.memory_space<hbm>> -> memref<2097152x16xf32, #tpu.memory_space<hbm>>
      tpu.wait_indirect_dma semaphore(%arg7 : memref<!tpu.dma_semaphore, #tpu.memory_space<semaphore_mem>>) src(%dma_wait3A_241 : memref<2097152x16xf32, #tpu.memory_space<hbm>>) dst(%dma_wait3A_235 : memref<128x16xf32, #tpu.memory_space<vmem>>)
      %dma_wait3A_242 = arith.constant 7 : i32
      %dma_wait3A_243 = arith.constant 896 : i32
      %dma_wait3A_244 = arith.constant 0 : i32
      %dma_wait3A_245 = tpu.memref_slice %arg6[%dma_wait3A_243, %dma_wait3A_244] : memref<2048x16xf32, #tpu.memory_space<vmem>> -> memref<128x16xf32, #tpu.memory_space<vmem>>
      %dma_wait3A_246 = arith.constant 0 : i32
      %dma_wait3A_247 = tpu.memref_slice %arg5[%dma_wait3A_242, %dma_wait3A_246] : memref<16x128xi32, #tpu.memory_space<vmem>> -> memref<1x128xi32, #tpu.memory_space<vmem>>
      %dma_wait3A_248 = tpu.memref_squeeze %dma_wait3A_247 : memref<1x128xi32, #tpu.memory_space<vmem>> -> memref<128xi32, #tpu.memory_space<vmem>>
      %dma_wait3A_249 = arith.constant 0 : i32
      %dma_wait3A_250 = arith.constant 0 : i32
      %dma_wait3A_251 = tpu.memref_slice %arg2[%dma_wait3A_249, %dma_wait3A_250] : memref<2097152x16xf32, #tpu.memory_space<hbm>> -> memref<2097152x16xf32, #tpu.memory_space<hbm>>
      tpu.wait_indirect_dma semaphore(%arg7 : memref<!tpu.dma_semaphore, #tpu.memory_space<semaphore_mem>>) src(%dma_wait3A_251 : memref<2097152x16xf32, #tpu.memory_space<hbm>>) dst(%dma_wait3A_245 : memref<128x16xf32, #tpu.memory_space<vmem>>)
      %dma_wait3A_252 = arith.constant 8 : i32
      %dma_wait3A_253 = arith.constant 1024 : i32
      %dma_wait3A_254 = arith.constant 0 : i32
      %dma_wait3A_255 = tpu.memref_slice %arg6[%dma_wait3A_253, %dma_wait3A_254] : memref<2048x16xf32, #tpu.memory_space<vmem>> -> memref<128x16xf32, #tpu.memory_space<vmem>>
      %dma_wait3A_256 = arith.constant 0 : i32
      %dma_wait3A_257 = tpu.memref_slice %arg5[%dma_wait3A_252, %dma_wait3A_256] : memref<16x128xi32, #tpu.memory_space<vmem>> -> memref<1x128xi32, #tpu.memory_space<vmem>>
      %dma_wait3A_258 = tpu.memref_squeeze %dma_wait3A_257 : memref<1x128xi32, #tpu.memory_space<vmem>> -> memref<128xi32, #tpu.memory_space<vmem>>
      %dma_wait3A_259 = arith.constant 0 : i32
      %dma_wait3A_260 = arith.constant 0 : i32
      %dma_wait3A_261 = tpu.memref_slice %arg2[%dma_wait3A_259, %dma_wait3A_260] : memref<2097152x16xf32, #tpu.memory_space<hbm>> -> memref<2097152x16xf32, #tpu.memory_space<hbm>>
      tpu.wait_indirect_dma semaphore(%arg7 : memref<!tpu.dma_semaphore, #tpu.memory_space<semaphore_mem>>) src(%dma_wait3A_261 : memref<2097152x16xf32, #tpu.memory_space<hbm>>) dst(%dma_wait3A_255 : memref<128x16xf32, #tpu.memory_space<vmem>>)
      %dma_wait3A_262 = arith.constant 9 : i32
      %dma_wait3A_263 = arith.constant 1152 : i32
      %dma_wait3A_264 = arith.constant 0 : i32
      %dma_wait3A_265 = tpu.memref_slice %arg6[%dma_wait3A_263, %dma_wait3A_264] : memref<2048x16xf32, #tpu.memory_space<vmem>> -> memref<128x16xf32, #tpu.memory_space<vmem>>
      %dma_wait3A_266 = arith.constant 0 : i32
      %dma_wait3A_267 = tpu.memref_slice %arg5[%dma_wait3A_262, %dma_wait3A_266] : memref<16x128xi32, #tpu.memory_space<vmem>> -> memref<1x128xi32, #tpu.memory_space<vmem>>
      %dma_wait3A_268 = tpu.memref_squeeze %dma_wait3A_267 : memref<1x128xi32, #tpu.memory_space<vmem>> -> memref<128xi32, #tpu.memory_space<vmem>>
      %dma_wait3A_269 = arith.constant 0 : i32
      %dma_wait3A_270 = arith.constant 0 : i32
      %dma_wait3A_271 = tpu.memref_slice %arg2[%dma_wait3A_269, %dma_wait3A_270] : memref<2097152x16xf32, #tpu.memory_space<hbm>> -> memref<2097152x16xf32, #tpu.memory_space<hbm>>
      tpu.wait_indirect_dma semaphore(%arg7 : memref<!tpu.dma_semaphore, #tpu.memory_space<semaphore_mem>>) src(%dma_wait3A_271 : memref<2097152x16xf32, #tpu.memory_space<hbm>>) dst(%dma_wait3A_265 : memref<128x16xf32, #tpu.memory_space<vmem>>)
      %dma_wait3A_272 = arith.constant 10 : i32
      %dma_wait3A_273 = arith.constant 1280 : i32
      %dma_wait3A_274 = arith.constant 0 : i32
      %dma_wait3A_275 = tpu.memref_slice %arg6[%dma_wait3A_273, %dma_wait3A_274] : memref<2048x16xf32, #tpu.memory_space<vmem>> -> memref<128x16xf32, #tpu.memory_space<vmem>>
      %dma_wait3A_276 = arith.constant 0 : i32
      %dma_wait3A_277 = tpu.memref_slice %arg5[%dma_wait3A_272, %dma_wait3A_276] : memref<16x128xi32, #tpu.memory_space<vmem>> -> memref<1x128xi32, #tpu.memory_space<vmem>>
      %dma_wait3A_278 = tpu.memref_squeeze %dma_wait3A_277 : memref<1x128xi32, #tpu.memory_space<vmem>> -> memref<128xi32, #tpu.memory_space<vmem>>
      %dma_wait3A_279 = arith.constant 0 : i32
      %dma_wait3A_280 = arith.constant 0 : i32
      %dma_wait3A_281 = tpu.memref_slice %arg2[%dma_wait3A_279, %dma_wait3A_280] : memref<2097152x16xf32, #tpu.memory_space<hbm>> -> memref<2097152x16xf32, #tpu.memory_space<hbm>>
      tpu.wait_indirect_dma semaphore(%arg7 : memref<!tpu.dma_semaphore, #tpu.memory_space<semaphore_mem>>) src(%dma_wait3A_281 : memref<2097152x16xf32, #tpu.memory_space<hbm>>) dst(%dma_wait3A_275 : memref<128x16xf32, #tpu.memory_space<vmem>>)
      %dma_wait3A_282 = arith.constant 11 : i32
      %dma_wait3A_283 = arith.constant 1408 : i32
      %dma_wait3A_284 = arith.constant 0 : i32
      %dma_wait3A_285 = tpu.memref_slice %arg6[%dma_wait3A_283, %dma_wait3A_284] : memref<2048x16xf32, #tpu.memory_space<vmem>> -> memref<128x16xf32, #tpu.memory_space<vmem>>
      %dma_wait3A_286 = arith.constant 0 : i32
      %dma_wait3A_287 = tpu.memref_slice %arg5[%dma_wait3A_282, %dma_wait3A_286] : memref<16x128xi32, #tpu.memory_space<vmem>> -> memref<1x128xi32, #tpu.memory_space<vmem>>
      %dma_wait3A_288 = tpu.memref_squeeze %dma_wait3A_287 : memref<1x128xi32, #tpu.memory_space<vmem>> -> memref<128xi32, #tpu.memory_space<vmem>>
      %dma_wait3A_289 = arith.constant 0 : i32
      %dma_wait3A_290 = arith.constant 0 : i32
      %dma_wait3A_291 = tpu.memref_slice %arg2[%dma_wait3A_289, %dma_wait3A_290] : memref<2097152x16xf32, #tpu.memory_space<hbm>> -> memref<2097152x16xf32, #tpu.memory_space<hbm>>
      tpu.wait_indirect_dma semaphore(%arg7 : memref<!tpu.dma_semaphore, #tpu.memory_space<semaphore_mem>>) src(%dma_wait3A_291 : memref<2097152x16xf32, #tpu.memory_space<hbm>>) dst(%dma_wait3A_285 : memref<128x16xf32, #tpu.memory_space<vmem>>)
      %dma_wait3A_292 = arith.constant 12 : i32
      %dma_wait3A_293 = arith.constant 1536 : i32
      %dma_wait3A_294 = arith.constant 0 : i32
      %dma_wait3A_295 = tpu.memref_slice %arg6[%dma_wait3A_293, %dma_wait3A_294] : memref<2048x16xf32, #tpu.memory_space<vmem>> -> memref<128x16xf32, #tpu.memory_space<vmem>>
      %dma_wait3A_296 = arith.constant 0 : i32
      %dma_wait3A_297 = tpu.memref_slice %arg5[%dma_wait3A_292, %dma_wait3A_296] : memref<16x128xi32, #tpu.memory_space<vmem>> -> memref<1x128xi32, #tpu.memory_space<vmem>>
      %dma_wait3A_298 = tpu.memref_squeeze %dma_wait3A_297 : memref<1x128xi32, #tpu.memory_space<vmem>> -> memref<128xi32, #tpu.memory_space<vmem>>
      %dma_wait3A_299 = arith.constant 0 : i32
      %dma_wait3A_300 = arith.constant 0 : i32
      %dma_wait3A_301 = tpu.memref_slice %arg2[%dma_wait3A_299, %dma_wait3A_300] : memref<2097152x16xf32, #tpu.memory_space<hbm>> -> memref<2097152x16xf32, #tpu.memory_space<hbm>>
      tpu.wait_indirect_dma semaphore(%arg7 : memref<!tpu.dma_semaphore, #tpu.memory_space<semaphore_mem>>) src(%dma_wait3A_301 : memref<2097152x16xf32, #tpu.memory_space<hbm>>) dst(%dma_wait3A_295 : memref<128x16xf32, #tpu.memory_space<vmem>>)
      %dma_wait3A_302 = arith.constant 13 : i32
      %dma_wait3A_303 = arith.constant 1664 : i32
      %dma_wait3A_304 = arith.constant 0 : i32
      %dma_wait3A_305 = tpu.memref_slice %arg6[%dma_wait3A_303, %dma_wait3A_304] : memref<2048x16xf32, #tpu.memory_space<vmem>> -> memref<128x16xf32, #tpu.memory_space<vmem>>
      %dma_wait3A_306 = arith.constant 0 : i32
      %dma_wait3A_307 = tpu.memref_slice %arg5[%dma_wait3A_302, %dma_wait3A_306] : memref<16x128xi32, #tpu.memory_space<vmem>> -> memref<1x128xi32, #tpu.memory_space<vmem>>
      %dma_wait3A_308 = tpu.memref_squeeze %dma_wait3A_307 : memref<1x128xi32, #tpu.memory_space<vmem>> -> memref<128xi32, #tpu.memory_space<vmem>>
      %dma_wait3A_309 = arith.constant 0 : i32
      %dma_wait3A_310 = arith.constant 0 : i32
      %dma_wait3A_311 = tpu.memref_slice %arg2[%dma_wait3A_309, %dma_wait3A_310] : memref<2097152x16xf32, #tpu.memory_space<hbm>> -> memref<2097152x16xf32, #tpu.memory_space<hbm>>
      tpu.wait_indirect_dma semaphore(%arg7 : memref<!tpu.dma_semaphore, #tpu.memory_space<semaphore_mem>>) src(%dma_wait3A_311 : memref<2097152x16xf32, #tpu.memory_space<hbm>>) dst(%dma_wait3A_305 : memref<128x16xf32, #tpu.memory_space<vmem>>)
      %dma_wait3A_312 = arith.constant 14 : i32
      %dma_wait3A_313 = arith.constant 1792 : i32
      %dma_wait3A_314 = arith.constant 0 : i32
      %dma_wait3A_315 = tpu.memref_slice %arg6[%dma_wait3A_313, %dma_wait3A_314] : memref<2048x16xf32, #tpu.memory_space<vmem>> -> memref<128x16xf32, #tpu.memory_space<vmem>>
      %dma_wait3A_316 = arith.constant 0 : i32
      %dma_wait3A_317 = tpu.memref_slice %arg5[%dma_wait3A_312, %dma_wait3A_316] : memref<16x128xi32, #tpu.memory_space<vmem>> -> memref<1x128xi32, #tpu.memory_space<vmem>>
      %dma_wait3A_318 = tpu.memref_squeeze %dma_wait3A_317 : memref<1x128xi32, #tpu.memory_space<vmem>> -> memref<128xi32, #tpu.memory_space<vmem>>
      %dma_wait3A_319 = arith.constant 0 : i32
      %dma_wait3A_320 = arith.constant 0 : i32
      %dma_wait3A_321 = tpu.memref_slice %arg2[%dma_wait3A_319, %dma_wait3A_320] : memref<2097152x16xf32, #tpu.memory_space<hbm>> -> memref<2097152x16xf32, #tpu.memory_space<hbm>>
      tpu.wait_indirect_dma semaphore(%arg7 : memref<!tpu.dma_semaphore, #tpu.memory_space<semaphore_mem>>) src(%dma_wait3A_321 : memref<2097152x16xf32, #tpu.memory_space<hbm>>) dst(%dma_wait3A_315 : memref<128x16xf32, #tpu.memory_space<vmem>>)
      %dma_wait3A_322 = arith.constant 15 : i32
      %dma_wait3A_323 = arith.constant 1920 : i32
      %dma_wait3A_324 = arith.constant 0 : i32
      %dma_wait3A_325 = tpu.memref_slice %arg6[%dma_wait3A_323, %dma_wait3A_324] : memref<2048x16xf32, #tpu.memory_space<vmem>> -> memref<128x16xf32, #tpu.memory_space<vmem>>
      %dma_wait3A_326 = arith.constant 0 : i32
      %dma_wait3A_327 = tpu.memref_slice %arg5[%dma_wait3A_322, %dma_wait3A_326] : memref<16x128xi32, #tpu.memory_space<vmem>> -> memref<1x128xi32, #tpu.memory_space<vmem>>
      %dma_wait3A_328 = tpu.memref_squeeze %dma_wait3A_327 : memref<1x128xi32, #tpu.memory_space<vmem>> -> memref<128xi32, #tpu.memory_space<vmem>>
      %dma_wait3A_329 = arith.constant 0 : i32
      %dma_wait3A_330 = arith.constant 0 : i32
      %dma_wait3A_331 = tpu.memref_slice %arg2[%dma_wait3A_329, %dma_wait3A_330] : memref<2097152x16xf32, #tpu.memory_space<hbm>> -> memref<2097152x16xf32, #tpu.memory_space<hbm>>
      tpu.wait_indirect_dma semaphore(%arg7 : memref<!tpu.dma_semaphore, #tpu.memory_space<semaphore_mem>>) src(%dma_wait3A_331 : memref<2097152x16xf32, #tpu.memory_space<hbm>>) dst(%dma_wait3A_325 : memref<128x16xf32, #tpu.memory_space<vmem>>)
      %mul3A_332 = arith.constant 2048 : i32
      %mul3A_333 = arith.muli %scan3A_10, %mul3A_332 : i32
      %add3A_334 = arith.addi %mul3A_2, %mul3A_333 : i32
      "tpu.region"() ({
        %run_scoped3A = tpu.sem_alloc : memref<!tpu.dma_semaphore, #tpu.memory_space<semaphore_mem>>
        %dma_start3A_335 = arith.constant 0 : i32
        %dma_start3A_336 = tpu.memref_slice %arg4[%add3A_334, %dma_start3A_335] : memref<2097152x16xf32, #tpu.memory_space<hbm>> -> memref<2048x16xf32, #tpu.memory_space<hbm>>
        %dma_start3A_337 = arith.constant 0 : i32
        %dma_start3A_338 = tpu.memref_slice %arg4[%add3A_334, %dma_start3A_337] : memref<2097152x16xf32, #tpu.memory_space<hbm>> -> memref<2048x16xf32, #tpu.memory_space<hbm>>
        tpu.enqueue_dma source(%arg6 : memref<2048x16xf32, #tpu.memory_space<vmem>>) target(%dma_start3A_338 : memref<2048x16xf32, #tpu.memory_space<hbm>>) target_semaphore(%run_scoped3A : memref<!tpu.dma_semaphore, #tpu.memory_space<semaphore_mem>>)
        %dma_wait3A_339 = arith.constant 0 : i32
        %dma_wait3A_340 = tpu.memref_slice %arg4[%add3A_334, %dma_wait3A_339] : memref<2097152x16xf32, #tpu.memory_space<hbm>> -> memref<2048x16xf32, #tpu.memory_space<hbm>>
        %dma_wait3A_341 = arith.constant 0 : i32
        %dma_wait3A_342 = tpu.memref_slice %arg4[%add3A_334, %dma_wait3A_341] : memref<2097152x16xf32, #tpu.memory_space<hbm>> -> memref<2048x16xf32, #tpu.memory_space<hbm>>
        tpu.wait_dma2 semaphore(%run_scoped3A : memref<!tpu.dma_semaphore, #tpu.memory_space<semaphore_mem>>) src(%arg6 : memref<2048x16xf32, #tpu.memory_space<vmem>>) dst(%dma_wait3A_342 : memref<2048x16xf32, #tpu.memory_space<hbm>>)
        tpu.yield
      }) : () -> ()
    }
    %scan3A_9 = arith.constant 32 : i32
    return
  }
}

module attributes {stable_mosaic.version = 14 : i64} {
  func.func @_k1a_body(%arg0: i32, %arg1: i32, %arg2: memref<1x4096x16xf32, #tpu.memory_space<vmem>>, %arg3: memref<1x16x4096xf32, #tpu.memory_space<vmem>>, %arg4: memref<1x4096x16xf32, #tpu.memory_space<vmem>>, %arg5: memref<1x16x4096xf32, #tpu.memory_space<vmem>>, %arg6: memref<1x1x8xf32, #tpu.memory_space<vmem>>, %arg7: memref<1x8x1xf32, #tpu.memory_space<vmem>>, %arg8: memref<16x16xf32, #tpu.memory_space<vmem>>, %arg9: memref<16x16xf32, #tpu.memory_space<vmem>>, %arg10: memref<8x16xf32, #tpu.memory_space<vmem>>, %arg11: memref<16x8xf32, #tpu.memory_space<vmem>>, %arg12: memref<32x16xf32, #tpu.memory_space<vmem>>, %arg13: memref<1x32x1xf32, #tpu.memory_space<vmem>>, %arg14: memref<1x1x4096xf32, #tpu.memory_space<vmem>>, %arg15: memref<1x4096x16xf32, #tpu.memory_space<vmem>>, %arg16: memref<1x1x4096xf32, #tpu.memory_space<vmem>>) attributes {dimension_semantics = [#tpu.dimension_semantics<arbitrary>, #tpu.dimension_semantics<arbitrary>], iteration_bounds = array<i64: 64, 8>, scalar_prefetch = 0 : i64, scratch_operands = 0 : i64, tpu.core_type = #tpu.core_type<tc>, window_params = [{transform_indices = @transform_0, window_bounds = array<i64: 1, 4096, 16>}, {transform_indices = @transform_1, window_bounds = array<i64: 1, 16, 4096>}, {transform_indices = @transform_2, window_bounds = array<i64: 1, 4096, 16>}, {transform_indices = @transform_3, window_bounds = array<i64: 1, 16, 4096>}, {transform_indices = @transform_4, window_bounds = array<i64: 1, 1, 8>}, {transform_indices = @transform_5, window_bounds = array<i64: 1, 8, 1>}, {pipeline_mode = #tpu.pipeline_mode<synchronous>, transform_indices = @transform_6, window_bounds = array<i64: 16, 16>}, {pipeline_mode = #tpu.pipeline_mode<synchronous>, transform_indices = @transform_7, window_bounds = array<i64: 16, 16>}, {pipeline_mode = #tpu.pipeline_mode<synchronous>, transform_indices = @transform_8, window_bounds = array<i64: 8, 16>}, {pipeline_mode = #tpu.pipeline_mode<synchronous>, transform_indices = @transform_9, window_bounds = array<i64: 16, 8>}, {pipeline_mode = #tpu.pipeline_mode<synchronous>, transform_indices = @transform_10, window_bounds = array<i64: 32, 16>}, {transform_indices = @transform_11, window_bounds = array<i64: 1, 32, 1>}, {transform_indices = @transform_12, window_bounds = array<i64: 1, 1, 4096>}, {transform_indices = @transform_13, window_bounds = array<i64: 1, 4096, 16>}, {transform_indices = @transform_14, window_bounds = array<i64: 1, 1, 4096>}]} {
    %get3A = arith.constant 0 : index
    %get3A_0 = arith.constant 0 : index
    %get3A_1 = arith.constant 0 : index
    %get3A_2 = vector.load %arg2[%get3A, %get3A_0, %get3A_1] : memref<1x4096x16xf32, #tpu.memory_space<vmem>>, vector<1x4096x16xf32>
    %get3A_3 = vector.shape_cast %get3A_2 : vector<1x4096x16xf32> to vector<4096x16xf32>
    %get3A_4 = arith.constant 0 : index
    %get3A_5 = arith.constant 0 : index
    %get3A_6 = arith.constant 0 : index
    %get3A_7 = vector.load %arg6[%get3A_4, %get3A_5, %get3A_6] : memref<1x1x8xf32, #tpu.memory_space<vmem>>, vector<1x1x8xf32>
    %get3A_8 = vector.shape_cast %get3A_7 : vector<1x1x8xf32> to vector<1x8xf32>
    %get3A_9 = arith.constant 0 : index
    %get3A_10 = arith.constant 0 : index
    %get3A_11 = vector.load %arg10[%get3A_9, %get3A_10] : memref<8x16xf32, #tpu.memory_space<vmem>>, vector<8x16xf32>
    %dot_general3A = arith.constant dense<0.000000e+00> : vector<1x16xf32>
    %dot_general3A_12 = tpu.matmul %get3A_8, %get3A_11, %dot_general3A {dimension_numbers = #tpu.dot_dimension_numbers<[1], [0], [0], [1], [0, 0, 1, 1], [], []>, transpose_lhs_hint = false} : vector<1x8xf32>, vector<8x16xf32>, vector<1x16xf32> -> vector<1x16xf32>
    %get3A_13 = arith.constant 0 : index
    %get3A_14 = arith.constant 0 : index
    %get3A_15 = vector.load %arg8[%get3A_13, %get3A_14] : memref<16x16xf32, #tpu.memory_space<vmem>>, vector<16x16xf32>
    %dot_general3A_16 = arith.constant dense<0.000000e+00> : vector<4096x16xf32>
    %dot_general3A_17 = tpu.matmul %get3A_3, %get3A_15, %dot_general3A_16 {dimension_numbers = #tpu.dot_dimension_numbers<[1], [0], [0], [1], [0, 0, 1, 1], [], []>, transpose_lhs_hint = false} : vector<4096x16xf32>, vector<16x16xf32>, vector<4096x16xf32> -> vector<4096x16xf32>
    %add3A = vector.broadcast %dot_general3A_12 : vector<1x16xf32> to vector<4096x16xf32>
    %add3A_18 = arith.addf %dot_general3A_17, %add3A : vector<4096x16xf32>
    %get3A_19 = arith.constant 0 : index
    %get3A_20 = arith.constant 0 : index
    %get3A_21 = arith.constant 0 : index
    %get3A_22 = vector.load %arg4[%get3A_19, %get3A_20, %get3A_21] : memref<1x4096x16xf32, #tpu.memory_space<vmem>>, vector<1x4096x16xf32>
    %get3A_23 = vector.shape_cast %get3A_22 : vector<1x4096x16xf32> to vector<4096x16xf32>
    %add3A_24 = arith.addf %add3A_18, %get3A_23 : vector<4096x16xf32>
    %swap3A = arith.constant 0 : index
    %swap3A_25 = arith.constant 0 : index
    %swap3A_26 = arith.constant 0 : index
    %swap3A_27 = vector.load %arg15[%swap3A, %swap3A_25, %swap3A_26] : memref<1x4096x16xf32, #tpu.memory_space<vmem>>, vector<1x4096x16xf32>
    %swap3A_28 = vector.shape_cast %swap3A_27 : vector<1x4096x16xf32> to vector<4096x16xf32>
    %swap3A_29 = vector.shape_cast %add3A_24 : vector<4096x16xf32> to vector<1x4096x16xf32>
    tpu.vector_store %arg15[%swap3A, %swap3A_25, %swap3A_26], %swap3A_29 {strides = array<i32>} : memref<1x4096x16xf32, #tpu.memory_space<vmem>>, vector<1x4096x16xf32>,
    %get3A_30 = arith.constant 0 : index
    %get3A_31 = arith.constant 0 : index
    %get3A_32 = arith.constant 0 : index
    %get3A_33 = vector.load %arg3[%get3A_30, %get3A_31, %get3A_32] : memref<1x16x4096xf32, #tpu.memory_space<vmem>>, vector<1x16x4096xf32>
    %get3A_34 = vector.shape_cast %get3A_33 : vector<1x16x4096xf32> to vector<16x4096xf32>
    %get3A_35 = arith.constant 0 : index
    %get3A_36 = arith.constant 0 : index
    %get3A_37 = arith.constant 0 : index
    %get3A_38 = vector.load %arg7[%get3A_35, %get3A_36, %get3A_37] : memref<1x8x1xf32, #tpu.memory_space<vmem>>, vector<1x8x1xf32>
    %get3A_39 = vector.shape_cast %get3A_38 : vector<1x8x1xf32> to vector<8x1xf32>
    %get3A_40 = arith.constant 0 : index
    %get3A_41 = arith.constant 0 : index
    %get3A_42 = vector.load %arg11[%get3A_40, %get3A_41] : memref<16x8xf32, #tpu.memory_space<vmem>>, vector<16x8xf32>
    %dot_general3A_43 = arith.constant dense<0.000000e+00> : vector<16x1xf32>
    %dot_general3A_44 = tpu.matmul %get3A_42, %get3A_39, %dot_general3A_43 {dimension_numbers = #tpu.dot_dimension_numbers<[1], [0], [0], [1], [0, 0, 1, 1], [], []>, transpose_lhs_hint = false} : vector<16x8xf32>, vector<8x1xf32>, vector<16x1xf32> -> vector<16x1xf32>
    %get3A_45 = arith.constant 0 : index
    %get3A_46 = arith.constant 0 : index
    %get3A_47 = vector.load %arg9[%get3A_45, %get3A_46] : memref<16x16xf32, #tpu.memory_space<vmem>>, vector<16x16xf32>
    %dot_general3A_48 = arith.constant dense<0.000000e+00> : vector<16x4096xf32>
    %dot_general3A_49 = tpu.matmul %get3A_47, %get3A_34, %dot_general3A_48 {dimension_numbers = #tpu.dot_dimension_numbers<[1], [0], [0], [1], [0, 0, 1, 1], [], []>, transpose_lhs_hint = false} : vector<16x16xf32>, vector<16x4096xf32>, vector<16x4096xf32> -> vector<16x4096xf32>
    %add3A_50 = vector.broadcast %dot_general3A_44 : vector<16x1xf32> to vector<16x4096xf32>
    %add3A_51 = arith.addf %dot_general3A_49, %add3A_50 : vector<16x4096xf32>
    %get3A_52 = arith.constant 0 : index
    %get3A_53 = arith.constant 0 : index
    %get3A_54 = arith.constant 0 : index
    %get3A_55 = vector.load %arg5[%get3A_52, %get3A_53, %get3A_54] : memref<1x16x4096xf32, #tpu.memory_space<vmem>>, vector<1x16x4096xf32>
    %get3A_56 = vector.shape_cast %get3A_55 : vector<1x16x4096xf32> to vector<16x4096xf32>
    %add3A_57 = arith.addf %add3A_51, %get3A_56 : vector<16x4096xf32>
    %get3A_58 = arith.constant 0 : index
    %get3A_59 = arith.constant 0 : index
    %get3A_60 = vector.load %arg12[%get3A_58, %get3A_59] : memref<32x16xf32, #tpu.memory_space<vmem>>, vector<32x16xf32>
    %dot_general3A_61 = arith.constant dense<0.000000e+00> : vector<32x4096xf32>
    %dot_general3A_62 = tpu.matmul %get3A_60, %add3A_57, %dot_general3A_61 {dimension_numbers = #tpu.dot_dimension_numbers<[1], [0], [0], [1], [0, 0, 1, 1], [], []>, transpose_lhs_hint = false} : vector<32x16xf32>, vector<16x4096xf32>, vector<32x4096xf32> -> vector<32x4096xf32>
    %get3A_63 = arith.constant 0 : index
    %get3A_64 = arith.constant 0 : index
    %get3A_65 = arith.constant 0 : index
    %get3A_66 = vector.load %arg13[%get3A_63, %get3A_64, %get3A_65] : memref<1x32x1xf32, #tpu.memory_space<vmem>>, vector<1x32x1xf32>
    %get3A_67 = vector.shape_cast %get3A_66 : vector<1x32x1xf32> to vector<32x1xf32>
    %sub3A = vector.broadcast %get3A_67 : vector<32x1xf32> to vector<32x4096xf32>
    %sub3A_68 = arith.subf %dot_general3A_62, %sub3A : vector<32x4096xf32>
    %mul3A = arith.mulf %sub3A_68, %sub3A_68 : vector<32x4096xf32>
    %reduce_sum3A = arith.constant dense<0.000000e+00> : vector<4096xf32>
    %reduce_sum3A_69 = vector.multi_reduction <add>, %mul3A, %reduce_sum3A [0] : vector<32x4096xf32> to vector<4096xf32>
    %broadcast_in_dim3A = vector.shape_cast %reduce_sum3A_69 : vector<4096xf32> to vector<1x4096xf32>
    %get3A_70 = arith.constant 0 : index
    %get3A_71 = arith.constant 0 : index
    %get3A_72 = arith.constant 0 : index
    %get3A_73 = vector.load %arg14[%get3A_70, %get3A_71, %get3A_72] : memref<1x1x4096xf32, #tpu.memory_space<vmem>>, vector<1x1x4096xf32>
    %get3A_74 = vector.shape_cast %get3A_73 : vector<1x1x4096xf32> to vector<1x4096xf32>
    %mul3A_75 = arith.constant -5.000000e-01 : f32
    %mul3A_76 = vector.broadcast %mul3A_75 : f32 to vector<1x4096xf32>
    %mul3A_77 = arith.mulf %mul3A_76, %broadcast_in_dim3A : vector<1x4096xf32>
    %add3A_78 = arith.addf %get3A_74, %mul3A_77 : vector<1x4096xf32>
    %swap3A_79 = arith.constant 0 : index
    %swap3A_80 = arith.constant 0 : index
    %swap3A_81 = arith.constant 0 : index
    %swap3A_82 = vector.load %arg16[%swap3A_79, %swap3A_80, %swap3A_81] : memref<1x1x4096xf32, #tpu.memory_space<vmem>>, vector<1x1x4096xf32>
    %swap3A_83 = vector.shape_cast %swap3A_82 : vector<1x1x4096xf32> to vector<1x4096xf32>
    %swap3A_84 = vector.shape_cast %add3A_78 : vector<1x4096xf32> to vector<1x1x4096xf32>
    tpu.vector_store %arg16[%swap3A_79, %swap3A_80, %swap3A_81], %swap3A_84 {strides = array<i32>} : memref<1x1x4096xf32, #tpu.memory_space<vmem>>, vector<1x1x4096xf32>,
    return
  }
  func.func @transform_0(%arg0: i32, %arg1: i32) -> (i32, i32, i32) {
    %c0_i32 = arith.constant 0 : i32
    %c0_i32_0 = arith.constant 0 : i32
    return %arg0, %arg1, %c0_i32 : i32, i32, i32
  }
  func.func @transform_1(%arg0: i32, %arg1: i32) -> (i32, i32, i32) {
    %c0_i32 = arith.constant 0 : i32
    %c0_i32_0 = arith.constant 0 : i32
    return %arg0, %c0_i32, %arg1 : i32, i32, i32
  }
  func.func @transform_2(%arg0: i32, %arg1: i32) -> (i32, i32, i32) {
    %c0_i32 = arith.constant 0 : i32
    %c0_i32_0 = arith.constant 0 : i32
    return %arg0, %arg1, %c0_i32 : i32, i32, i32
  }
  func.func @transform_3(%arg0: i32, %arg1: i32) -> (i32, i32, i32) {
    %c0_i32 = arith.constant 0 : i32
    %c0_i32_0 = arith.constant 0 : i32
    return %arg0, %c0_i32, %arg1 : i32, i32, i32
  }
  func.func @transform_4(%arg0: i32, %arg1: i32) -> (i32, i32, i32) {
    %c0_i32 = arith.constant 0 : i32
    %c0_i32_0 = arith.constant 0 : i32
    %c0_i32_1 = arith.constant 0 : i32
    return %arg0, %c0_i32, %c0_i32_0 : i32, i32, i32
  }
  func.func @transform_5(%arg0: i32, %arg1: i32) -> (i32, i32, i32) {
    %c0_i32 = arith.constant 0 : i32
    %c0_i32_0 = arith.constant 0 : i32
    %c0_i32_1 = arith.constant 0 : i32
    return %arg0, %c0_i32, %c0_i32_0 : i32, i32, i32
  }
  func.func @transform_6(%arg0: i32, %arg1: i32) -> (i32, i32) {
    %c0_i32 = arith.constant 0 : i32
    %c0_i32_0 = arith.constant 0 : i32
    %c0_i32_1 = arith.constant 0 : i32
    return %c0_i32, %c0_i32_0 : i32, i32
  }
  func.func @transform_7(%arg0: i32, %arg1: i32) -> (i32, i32) {
    %c0_i32 = arith.constant 0 : i32
    %c0_i32_0 = arith.constant 0 : i32
    %c0_i32_1 = arith.constant 0 : i32
    return %c0_i32, %c0_i32_0 : i32, i32
  }
  func.func @transform_8(%arg0: i32, %arg1: i32) -> (i32, i32) {
    %c0_i32 = arith.constant 0 : i32
    %c0_i32_0 = arith.constant 0 : i32
    %c0_i32_1 = arith.constant 0 : i32
    return %c0_i32, %c0_i32_0 : i32, i32
  }
  func.func @transform_9(%arg0: i32, %arg1: i32) -> (i32, i32) {
    %c0_i32 = arith.constant 0 : i32
    %c0_i32_0 = arith.constant 0 : i32
    %c0_i32_1 = arith.constant 0 : i32
    return %c0_i32, %c0_i32_0 : i32, i32
  }
  func.func @transform_10(%arg0: i32, %arg1: i32) -> (i32, i32) {
    %c0_i32 = arith.constant 0 : i32
    %c0_i32_0 = arith.constant 0 : i32
    %c0_i32_1 = arith.constant 0 : i32
    return %c0_i32, %c0_i32_0 : i32, i32
  }
  func.func @transform_11(%arg0: i32, %arg1: i32) -> (i32, i32, i32) {
    %c0_i32 = arith.constant 0 : i32
    %c0_i32_0 = arith.constant 0 : i32
    %c0_i32_1 = arith.constant 0 : i32
    return %arg0, %c0_i32, %c0_i32_0 : i32, i32, i32
  }
  func.func @transform_12(%arg0: i32, %arg1: i32) -> (i32, i32, i32) {
    %c0_i32 = arith.constant 0 : i32
    %c0_i32_0 = arith.constant 0 : i32
    return %arg0, %c0_i32, %arg1 : i32, i32, i32
  }
  func.func @transform_13(%arg0: i32, %arg1: i32) -> (i32, i32, i32) {
    %c0_i32 = arith.constant 0 : i32
    %c0_i32_0 = arith.constant 0 : i32
    return %arg0, %arg1, %c0_i32 : i32, i32, i32
  }
  func.func @transform_14(%arg0: i32, %arg1: i32) -> (i32, i32, i32) {
    %c0_i32 = arith.constant 0 : i32
    %c0_i32_0 = arith.constant 0 : i32
    return %arg0, %c0_i32, %arg1 : i32, i32, i32
  }
}

module attributes {stable_mosaic.version = 14 : i64} {
  func.func @_k1b_body(%arg0: i32, %arg1: memref<1x1x32768xf32, #tpu.memory_space<vmem>>, %arg2: memref<1x1x32768xf32, #tpu.memory_space<vmem>>) attributes {dimension_semantics = [#tpu.dimension_semantics<arbitrary>], iteration_bounds = array<i64: 64>, scalar_prefetch = 0 : i64, scratch_operands = 0 : i64, tpu.core_type = #tpu.core_type<tc>, window_params = [{transform_indices = @transform_0, window_bounds = array<i64: 1, 1, 32768>}, {transform_indices = @transform_1, window_bounds = array<i64: 1, 1, 32768>}]} {
    %get3A = arith.constant 0 : index
    %get3A_0 = arith.constant 0 : index
    %get3A_1 = arith.constant 0 : index
    %get3A_2 = vector.load %arg1[%get3A, %get3A_0, %get3A_1] : memref<1x1x32768xf32, #tpu.memory_space<vmem>>, vector<1x1x32768xf32>
    %get3A_3 = vector.shape_cast %get3A_2 : vector<1x1x32768xf32> to vector<1x32768xf32>
    %reduce_max3A = vector.shape_cast %get3A_3 : vector<1x32768xf32> to vector<1x1x32768xf32>
    %reduce_max3A_4 = arith.constant dense<0xFF800000> : vector<1xf32>
    %reduce_max3A_5 = vector.multi_reduction <maximumf>, %reduce_max3A, %reduce_max3A_4 [1, 2] : vector<1x1x32768xf32> to vector<1xf32>
    %reduce_max3A_6 = vector.shape_cast %reduce_max3A_5 : vector<1xf32> to vector<1x1x1xf32>
    %reduce_max3A_7 = vector.extract %reduce_max3A_6[0, 0, 0] : f32 from vector<1x1x1xf32>
    %sub3A = vector.broadcast %reduce_max3A_7 : f32 to vector<1x32768xf32>
    %sub3A_8 = arith.subf %get3A_3, %sub3A : vector<1x32768xf32>
    %exp3A = math.exp %sub3A_8 : vector<1x32768xf32>
    %reduce_sum3A = vector.shape_cast %exp3A : vector<1x32768xf32> to vector<1x1x32768xf32>
    %reduce_sum3A_9 = arith.constant dense<0.000000e+00> : vector<1xf32>
    %reduce_sum3A_10 = vector.multi_reduction <add>, %reduce_sum3A, %reduce_sum3A_9 [1, 2] : vector<1x1x32768xf32> to vector<1xf32>
    %reduce_sum3A_11 = vector.shape_cast %reduce_sum3A_10 : vector<1xf32> to vector<1x1x1xf32>
    %reduce_sum3A_12 = vector.extract %reduce_sum3A_11[0, 0, 0] : f32 from vector<1x1x1xf32>
    %log3A = math.log %reduce_sum3A_12 : f32
    %add3A = arith.addf %log3A, %reduce_max3A_7 : f32
    %sub3A_13 = vector.broadcast %add3A : f32 to vector<1x32768xf32>
    %sub3A_14 = arith.subf %get3A_3, %sub3A_13 : vector<1x32768xf32>
    %swap3A = arith.constant 0 : index
    %swap3A_15 = arith.constant 0 : index
    %swap3A_16 = arith.constant 0 : index
    %swap3A_17 = vector.load %arg2[%swap3A, %swap3A_15, %swap3A_16] : memref<1x1x32768xf32, #tpu.memory_space<vmem>>, vector<1x1x32768xf32>
    %swap3A_18 = vector.shape_cast %swap3A_17 : vector<1x1x32768xf32> to vector<1x32768xf32>
    %swap3A_19 = vector.shape_cast %sub3A_14 : vector<1x32768xf32> to vector<1x1x32768xf32>
    tpu.vector_store %arg2[%swap3A, %swap3A_15, %swap3A_16], %swap3A_19 {strides = array<i32>} : memref<1x1x32768xf32, #tpu.memory_space<vmem>>, vector<1x1x32768xf32>,
    return
  }
  func.func @transform_0(%arg0: i32) -> (i32, i32, i32) {
    %c0_i32 = arith.constant 0 : i32
    %c0_i32_0 = arith.constant 0 : i32
    %c0_i32_1 = arith.constant 0 : i32
    return %arg0, %c0_i32, %c0_i32_0 : i32, i32, i32
  }
  func.func @transform_1(%arg0: i32) -> (i32, i32, i32) {
    %c0_i32 = arith.constant 0 : i32
    %c0_i32_0 = arith.constant 0 : i32
    %c0_i32_1 = arith.constant 0 : i32
    return %arg0, %c0_i32, %c0_i32_0 : i32, i32, i32
  }
}

module attributes {stable_mosaic.version = 14 : i64} {
  func.func @body(%arg0: i32, %arg1: i32, %arg2: memref<1x4096x1xi32, #tpu.memory_space<vmem>>, %arg3: memref<1x4096x1xf32, #tpu.memory_space<vmem>>, %arg4: memref<1x1x512xf32, #tpu.memory_space<smem>>, %arg5: memref<1x1x1024xi32, #tpu.memory_space<vmem>>, %arg6: memref<1x1x1024xf32, #tpu.memory_space<vmem>>) attributes {dimension_semantics = [#tpu.dimension_semantics<arbitrary>, #tpu.dimension_semantics<arbitrary>], iteration_bounds = array<i64: 64, 32>, scalar_prefetch = 0 : i64, scratch_operands = 0 : i64, tpu.core_type = #tpu.core_type<tc>, window_params = [{transform_indices = @transform_0, window_bounds = array<i64: 1, 4096, 1>}, {transform_indices = @transform_1, window_bounds = array<i64: 1, 4096, 1>}, {transform_indices = @transform_2, window_bounds = array<i64: 1, 1, 512>}, {transform_indices = @transform_3, window_bounds = array<i64: 1, 1, 1024>}, {transform_indices = @transform_4, window_bounds = array<i64: 1, 1, 1024>}]} {
    %iota3A = tpu.iota {dimensions = array<i32: 1>} : vector<8x1024xi32>
    %mul3A = arith.constant 1024 : i32
    %mul3A_0 = arith.muli %arg1, %mul3A : i32
    %add3A = vector.broadcast %mul3A_0 : i32 to vector<8x1024xi32>
    %add3A_1 = arith.addi %iota3A, %add3A : vector<8x1024xi32>
    %mul3A_2 = arith.constant 64 : i32
    %mul3A_3 = vector.broadcast %mul3A_2 : i32 to vector<8x1024xi32>
    %mul3A_4 = arith.muli %add3A_1, %mul3A_3 : vector<8x1024xi32>
    %add3A_5 = vector.broadcast %arg0 : i32 to vector<8x1024xi32>
    %add3A_6 = arith.addi %mul3A_4, %add3A_5 : vector<8x1024xi32>
    %shift_left3A = arith.constant 15 : i32
    %shift_left3A_7 = vector.broadcast %shift_left3A : i32 to vector<8x1024xi32>
    %shift_left3A_8 = arith.shli %add3A_6, %shift_left3A_7 : vector<8x1024xi32>
    %shift_right_logical3A = arith.constant 17 : i32
    %shift_right_logical3A_9 = vector.broadcast %shift_right_logical3A : i32 to vector<8x1024xi32>
    %shift_right_logical3A_10 = arith.shrui %add3A_6, %shift_right_logical3A_9 : vector<8x1024xi32>
    %broadcast_in_dim3A = arith.constant 3.000000e+38 : f32
    %broadcast_in_dim3A_11 = vector.broadcast %broadcast_in_dim3A : f32 to vector<8x1024xf32>
    %broadcast_in_dim3A_12 = arith.constant 2147483647 : i32
    %broadcast_in_dim3A_13 = vector.broadcast %broadcast_in_dim3A_12 : i32 to vector<8x1024xi32>
    %while3A = arith.constant 0 : i32
    %while3A_14:3 = scf.while (%while3A_33 = %while3A, %while3A_34 = %broadcast_in_dim3A_11, %while3A_35 = %broadcast_in_dim3A_13) : (i32, vector<8x1024xf32>, vector<8x1024xi32>) -> (i32, vector<8x1024xf32>, vector<8x1024xi32>) {
      %lt3A = arith.constant 512 : i32
      %lt3A_36 = arith.cmpi slt, %while3A_33, %lt3A : i32
      scf.condition(%lt3A_36) %while3A_33, %while3A_34, %while3A_35 : i32, vector<8x1024xf32>, vector<8x1024xi32>
    } do {
    ^bb0(%while3A_33: i32, %while3A_34: vector<8x1024xf32>, %while3A_35: vector<8x1024xi32>):
      %mul3A_36 = arith.constant 8 : i32
      %mul3A_37 = arith.muli %while3A_33, %mul3A_36 : i32
      %get3A = arith.constant 0 : index
      %get3A_38 = arith.index_cast %mul3A_37 : i32 to index
      %get3A_39 = arith.constant 0 : index
      %get3A_40 = vector.load %arg2[%get3A, %get3A_38, %get3A_39] : memref<1x4096x1xi32, #tpu.memory_space<vmem>>, vector<1x8x1xi32>
      %get3A_41 = vector.shape_cast %get3A_40 : vector<1x8x1xi32> to vector<8x1xi32>
      %mul3A_42 = arith.constant 8 : i32
      %mul3A_43 = arith.muli %while3A_33, %mul3A_42 : i32
      %get3A_44 = arith.constant 0 : index
      %get3A_45 = arith.index_cast %mul3A_43 : i32 to index
      %get3A_46 = arith.constant 0 : index
      %get3A_47 = vector.load %arg3[%get3A_44, %get3A_45, %get3A_46] : memref<1x4096x1xf32, #tpu.memory_space<vmem>>, vector<1x8x1xf32>
      %get3A_48 = vector.shape_cast %get3A_47 : vector<1x8x1xf32> to vector<8x1xf32>
      %add3A_49 = vector.broadcast %get3A_41 : vector<8x1xi32> to vector<8x1024xi32>
      %add3A_50 = arith.addi %shift_left3A_8, %add3A_49 : vector<8x1024xi32>
      %add3A_51 = arith.constant 64467757 : i32
      %add3A_52 = vector.broadcast %add3A_51 : i32 to vector<8x1024xi32>
      %add3A_53 = arith.addi %shift_right_logical3A_10, %add3A_52 : vector<8x1024xi32>
      %add3A_54 = arith.constant -1378843660 : i32
      %add3A_55 = vector.broadcast %add3A_54 : i32 to vector<8x1024xi32>
      %add3A_56 = arith.addi %add3A_50, %add3A_55 : vector<8x1024xi32>
      %add3A_57 = arith.addi %add3A_53, %add3A_56 : vector<8x1024xi32>
      %shift_left3A_58 = arith.constant 13 : i32
      %shift_left3A_59 = vector.broadcast %shift_left3A_58 : i32 to vector<8x1024xi32>
      %shift_left3A_60 = arith.shli %add3A_56, %shift_left3A_59 : vector<8x1024xi32>
      %shift_right_logical3A_61 = arith.constant 19 : i32
      %shift_right_logical3A_62 = vector.broadcast %shift_right_logical3A_61 : i32 to vector<8x1024xi32>
      %shift_right_logical3A_63 = arith.shrui %add3A_56, %shift_right_logical3A_62 : vector<8x1024xi32>
      %or3A = arith.ori %shift_left3A_60, %shift_right_logical3A_63 : vector<8x1024xi32>
      %xor3A = arith.xori %add3A_57, %or3A : vector<8x1024xi32>
      %add3A_64 = arith.addi %add3A_57, %xor3A : vector<8x1024xi32>
      %shift_left3A_65 = arith.constant 15 : i32
      %shift_left3A_66 = vector.broadcast %shift_left3A_65 : i32 to vector<8x1024xi32>
      %shift_left3A_67 = arith.shli %xor3A, %shift_left3A_66 : vector<8x1024xi32>
      %shift_right_logical3A_68 = arith.constant 17 : i32
      %shift_right_logical3A_69 = vector.broadcast %shift_right_logical3A_68 : i32 to vector<8x1024xi32>
      %shift_right_logical3A_70 = arith.shrui %xor3A, %shift_right_logical3A_69 : vector<8x1024xi32>
      %or3A_71 = arith.ori %shift_left3A_67, %shift_right_logical3A_70 : vector<8x1024xi32>
      %xor3A_72 = arith.xori %add3A_64, %or3A_71 : vector<8x1024xi32>
      %add3A_73 = arith.addi %add3A_64, %xor3A_72 : vector<8x1024xi32>
      %shift_left3A_74 = arith.constant 26 : i32
      %shift_left3A_75 = vector.broadcast %shift_left3A_74 : i32 to vector<8x1024xi32>
      %shift_left3A_76 = arith.shli %xor3A_72, %shift_left3A_75 : vector<8x1024xi32>
      %shift_right_logical3A_77 = arith.constant 6 : i32
      %shift_right_logical3A_78 = vector.broadcast %shift_right_logical3A_77 : i32 to vector<8x1024xi32>
      %shift_right_logical3A_79 = arith.shrui %xor3A_72, %shift_right_logical3A_78 : vector<8x1024xi32>
      %or3A_80 = arith.ori %shift_left3A_76, %shift_right_logical3A_79 : vector<8x1024xi32>
      %xor3A_81 = arith.xori %add3A_73, %or3A_80 : vector<8x1024xi32>
      %add3A_82 = arith.addi %add3A_73, %xor3A_81 : vector<8x1024xi32>
      %shift_left3A_83 = arith.constant 6 : i32
      %shift_left3A_84 = vector.broadcast %shift_left3A_83 : i32 to vector<8x1024xi32>
      %shift_left3A_85 = arith.shli %xor3A_81, %shift_left3A_84 : vector<8x1024xi32>
      %shift_right_logical3A_86 = arith.constant 26 : i32
      %shift_right_logical3A_87 = vector.broadcast %shift_right_logical3A_86 : i32 to vector<8x1024xi32>
      %shift_right_logical3A_88 = arith.shrui %xor3A_81, %shift_right_logical3A_87 : vector<8x1024xi32>
      %or3A_89 = arith.ori %shift_left3A_85, %shift_right_logical3A_88 : vector<8x1024xi32>
      %xor3A_90 = arith.xori %add3A_82, %or3A_89 : vector<8x1024xi32>
      %add3A_91 = arith.constant -1378843660 : i32
      %add3A_92 = vector.broadcast %add3A_91 : i32 to vector<8x1024xi32>
      %add3A_93 = arith.addi %add3A_82, %add3A_92 : vector<8x1024xi32>
      %add3A_94 = arith.constant -1244255484 : i32
      %add3A_95 = vector.broadcast %add3A_94 : i32 to vector<8x1024xi32>
      %add3A_96 = arith.addi %xor3A_90, %add3A_95 : vector<8x1024xi32>
      %add3A_97 = arith.addi %add3A_93, %add3A_96 : vector<8x1024xi32>
      %shift_left3A_98 = arith.constant 17 : i32
      %shift_left3A_99 = vector.broadcast %shift_left3A_98 : i32 to vector<8x1024xi32>
      %shift_left3A_100 = arith.shli %add3A_96, %shift_left3A_99 : vector<8x1024xi32>
      %shift_right_logical3A_101 = arith.constant 15 : i32
      %shift_right_logical3A_102 = vector.broadcast %shift_right_logical3A_101 : i32 to vector<8x1024xi32>
      %shift_right_logical3A_103 = arith.shrui %add3A_96, %shift_right_logical3A_102 : vector<8x1024xi32>
      %or3A_104 = arith.ori %shift_left3A_100, %shift_right_logical3A_103 : vector<8x1024xi32>
      %xor3A_105 = arith.xori %add3A_97, %or3A_104 : vector<8x1024xi32>
      %add3A_106 = arith.addi %add3A_97, %xor3A_105 : vector<8x1024xi32>
      %shift_left3A_107 = arith.constant 29 : i32
      %shift_left3A_108 = vector.broadcast %shift_left3A_107 : i32 to vector<8x1024xi32>
      %shift_left3A_109 = arith.shli %xor3A_105, %shift_left3A_108 : vector<8x1024xi32>
      %shift_right_logical3A_110 = arith.constant 3 : i32
      %shift_right_logical3A_111 = vector.broadcast %shift_right_logical3A_110 : i32 to vector<8x1024xi32>
      %shift_right_logical3A_112 = arith.shrui %xor3A_105, %shift_right_logical3A_111 : vector<8x1024xi32>
      %or3A_113 = arith.ori %shift_left3A_109, %shift_right_logical3A_112 : vector<8x1024xi32>
      %xor3A_114 = arith.xori %add3A_106, %or3A_113 : vector<8x1024xi32>
      %add3A_115 = arith.addi %add3A_106, %xor3A_114 : vector<8x1024xi32>
      %shift_left3A_116 = arith.constant 16 : i32
      %shift_left3A_117 = vector.broadcast %shift_left3A_116 : i32 to vector<8x1024xi32>
      %shift_left3A_118 = arith.shli %xor3A_114, %shift_left3A_117 : vector<8x1024xi32>
      %shift_right_logical3A_119 = arith.constant 16 : i32
      %shift_right_logical3A_120 = vector.broadcast %shift_right_logical3A_119 : i32 to vector<8x1024xi32>
      %shift_right_logical3A_121 = arith.shrui %xor3A_114, %shift_right_logical3A_120 : vector<8x1024xi32>
      %or3A_122 = arith.ori %shift_left3A_118, %shift_right_logical3A_121 : vector<8x1024xi32>
      %xor3A_123 = arith.xori %add3A_115, %or3A_122 : vector<8x1024xi32>
      %add3A_124 = arith.addi %add3A_115, %xor3A_123 : vector<8x1024xi32>
      %shift_left3A_125 = arith.constant 24 : i32
      %shift_left3A_126 = vector.broadcast %shift_left3A_125 : i32 to vector<8x1024xi32>
      %shift_left3A_127 = arith.shli %xor3A_123, %shift_left3A_126 : vector<8x1024xi32>
      %shift_right_logical3A_128 = arith.constant 8 : i32
      %shift_right_logical3A_129 = vector.broadcast %shift_right_logical3A_128 : i32 to vector<8x1024xi32>
      %shift_right_logical3A_130 = arith.shrui %xor3A_123, %shift_right_logical3A_129 : vector<8x1024xi32>
      %or3A_131 = arith.ori %shift_left3A_127, %shift_right_logical3A_130 : vector<8x1024xi32>
      %xor3A_132 = arith.xori %add3A_124, %or3A_131 : vector<8x1024xi32>
      %add3A_133 = arith.constant -1244255485 : i32
      %add3A_134 = vector.broadcast %add3A_133 : i32 to vector<8x1024xi32>
      %add3A_135 = arith.addi %add3A_124, %add3A_134 : vector<8x1024xi32>
      %add3A_136 = arith.constant 64467759 : i32
      %add3A_137 = vector.broadcast %add3A_136 : i32 to vector<8x1024xi32>
      %add3A_138 = arith.addi %xor3A_132, %add3A_137 : vector<8x1024xi32>
      %add3A_139 = arith.addi %add3A_135, %add3A_138 : vector<8x1024xi32>
      %shift_left3A_140 = arith.constant 13 : i32
      %shift_left3A_141 = vector.broadcast %shift_left3A_140 : i32 to vector<8x1024xi32>
      %shift_left3A_142 = arith.shli %add3A_138, %shift_left3A_141 : vector<8x1024xi32>
      %shift_right_logical3A_143 = arith.constant 19 : i32
      %shift_right_logical3A_144 = vector.broadcast %shift_right_logical3A_143 : i32 to vector<8x1024xi32>
      %shift_right_logical3A_145 = arith.shrui %add3A_138, %shift_right_logical3A_144 : vector<8x1024xi32>
      %or3A_146 = arith.ori %shift_left3A_142, %shift_right_logical3A_145 : vector<8x1024xi32>
      %xor3A_147 = arith.xori %add3A_139, %or3A_146 : vector<8x1024xi32>
      %add3A_148 = arith.addi %add3A_139, %xor3A_147 : vector<8x1024xi32>
      %shift_left3A_149 = arith.constant 15 : i32
      %shift_left3A_150 = vector.broadcast %shift_left3A_149 : i32 to vector<8x1024xi32>
      %shift_left3A_151 = arith.shli %xor3A_147, %shift_left3A_150 : vector<8x1024xi32>
      %shift_right_logical3A_152 = arith.constant 17 : i32
      %shift_right_logical3A_153 = vector.broadcast %shift_right_logical3A_152 : i32 to vector<8x1024xi32>
      %shift_right_logical3A_154 = arith.shrui %xor3A_147, %shift_right_logical3A_153 : vector<8x1024xi32>
      %or3A_155 = arith.ori %shift_left3A_151, %shift_right_logical3A_154 : vector<8x1024xi32>
      %xor3A_156 = arith.xori %add3A_148, %or3A_155 : vector<8x1024xi32>
      %add3A_157 = arith.addi %add3A_148, %xor3A_156 : vector<8x1024xi32>
      %shift_left3A_158 = arith.constant 26 : i32
      %shift_left3A_159 = vector.broadcast %shift_left3A_158 : i32 to vector<8x1024xi32>
      %shift_left3A_160 = arith.shli %xor3A_156, %shift_left3A_159 : vector<8x1024xi32>
      %shift_right_logical3A_161 = arith.constant 6 : i32
      %shift_right_logical3A_162 = vector.broadcast %shift_right_logical3A_161 : i32 to vector<8x1024xi32>
      %shift_right_logical3A_163 = arith.shrui %xor3A_156, %shift_right_logical3A_162 : vector<8x1024xi32>
      %or3A_164 = arith.ori %shift_left3A_160, %shift_right_logical3A_163 : vector<8x1024xi32>
      %xor3A_165 = arith.xori %add3A_157, %or3A_164 : vector<8x1024xi32>
      %add3A_166 = arith.addi %add3A_157, %xor3A_165 : vector<8x1024xi32>
      %shift_left3A_167 = arith.constant 6 : i32
      %shift_left3A_168 = vector.broadcast %shift_left3A_167 : i32 to vector<8x1024xi32>
      %shift_left3A_169 = arith.shli %xor3A_165, %shift_left3A_168 : vector<8x1024xi32>
      %shift_right_logical3A_170 = arith.constant 26 : i32
      %shift_right_logical3A_171 = vector.broadcast %shift_right_logical3A_170 : i32 to vector<8x1024xi32>
      %shift_right_logical3A_172 = arith.shrui %xor3A_165, %shift_right_logical3A_171 : vector<8x1024xi32>
      %or3A_173 = arith.ori %shift_left3A_169, %shift_right_logical3A_172 : vector<8x1024xi32>
      %xor3A_174 = arith.xori %add3A_166, %or3A_173 : vector<8x1024xi32>
      %add3A_175 = arith.constant 64467757 : i32
      %add3A_176 = vector.broadcast %add3A_175 : i32 to vector<8x1024xi32>
      %add3A_177 = arith.addi %add3A_166, %add3A_176 : vector<8x1024xi32>
      %add3A_178 = arith.constant -1378843657 : i32
      %add3A_179 = vector.broadcast %add3A_178 : i32 to vector<8x1024xi32>
      %add3A_180 = arith.addi %xor3A_174, %add3A_179 : vector<8x1024xi32>
      %add3A_181 = arith.addi %add3A_177, %add3A_180 : vector<8x1024xi32>
      %shift_left3A_182 = arith.constant 17 : i32
      %shift_left3A_183 = vector.broadcast %shift_left3A_182 : i32 to vector<8x1024xi32>
      %shift_left3A_184 = arith.shli %add3A_180, %shift_left3A_183 : vector<8x1024xi32>
      %shift_right_logical3A_185 = arith.constant 15 : i32
      %shift_right_logical3A_186 = vector.broadcast %shift_right_logical3A_185 : i32 to vector<8x1024xi32>
      %shift_right_logical3A_187 = arith.shrui %add3A_180, %shift_right_logical3A_186 : vector<8x1024xi32>
      %or3A_188 = arith.ori %shift_left3A_184, %shift_right_logical3A_187 : vector<8x1024xi32>
      %xor3A_189 = arith.xori %add3A_181, %or3A_188 : vector<8x1024xi32>
      %add3A_190 = arith.addi %add3A_181, %xor3A_189 : vector<8x1024xi32>
      %shift_left3A_191 = arith.constant 29 : i32
      %shift_left3A_192 = vector.broadcast %shift_left3A_191 : i32 to vector<8x1024xi32>
      %shift_left3A_193 = arith.shli %xor3A_189, %shift_left3A_192 : vector<8x1024xi32>
      %shift_right_logical3A_194 = arith.constant 3 : i32
      %shift_right_logical3A_195 = vector.broadcast %shift_right_logical3A_194 : i32 to vector<8x1024xi32>
      %shift_right_logical3A_196 = arith.shrui %xor3A_189, %shift_right_logical3A_195 : vector<8x1024xi32>
      %or3A_197 = arith.ori %shift_left3A_193, %shift_right_logical3A_196 : vector<8x1024xi32>
      %xor3A_198 = arith.xori %add3A_190, %or3A_197 : vector<8x1024xi32>
      %add3A_199 = arith.addi %add3A_190, %xor3A_198 : vector<8x1024xi32>
      %shift_left3A_200 = arith.constant 16 : i32
      %shift_left3A_201 = vector.broadcast %shift_left3A_200 : i32 to vector<8x1024xi32>
      %shift_left3A_202 = arith.shli %xor3A_198, %shift_left3A_201 : vector<8x1024xi32>
      %shift_right_logical3A_203 = arith.constant 16 : i32
      %shift_right_logical3A_204 = vector.broadcast %shift_right_logical3A_203 : i32 to vector<8x1024xi32>
      %shift_right_logical3A_205 = arith.shrui %xor3A_198, %shift_right_logical3A_204 : vector<8x1024xi32>
      %or3A_206 = arith.ori %shift_left3A_202, %shift_right_logical3A_205 : vector<8x1024xi32>
      %xor3A_207 = arith.xori %add3A_199, %or3A_206 : vector<8x1024xi32>
      %add3A_208 = arith.addi %add3A_199, %xor3A_207 : vector<8x1024xi32>
      %shift_left3A_209 = arith.constant 24 : i32
      %shift_left3A_210 = vector.broadcast %shift_left3A_209 : i32 to vector<8x1024xi32>
      %shift_left3A_211 = arith.shli %xor3A_207, %shift_left3A_210 : vector<8x1024xi32>
      %shift_right_logical3A_212 = arith.constant 8 : i32
      %shift_right_logical3A_213 = vector.broadcast %shift_right_logical3A_212 : i32 to vector<8x1024xi32>
      %shift_right_logical3A_214 = arith.shrui %xor3A_207, %shift_right_logical3A_213 : vector<8x1024xi32>
      %or3A_215 = arith.ori %shift_left3A_211, %shift_right_logical3A_214 : vector<8x1024xi32>
      %xor3A_216 = arith.xori %add3A_208, %or3A_215 : vector<8x1024xi32>
      %add3A_217 = arith.constant -1378843660 : i32
      %add3A_218 = vector.broadcast %add3A_217 : i32 to vector<8x1024xi32>
      %add3A_219 = arith.addi %add3A_208, %add3A_218 : vector<8x1024xi32>
      %add3A_220 = arith.constant -1244255481 : i32
      %add3A_221 = vector.broadcast %add3A_220 : i32 to vector<8x1024xi32>
      %add3A_222 = arith.addi %xor3A_216, %add3A_221 : vector<8x1024xi32>
      %add3A_223 = arith.addi %add3A_219, %add3A_222 : vector<8x1024xi32>
      %shift_left3A_224 = arith.constant 13 : i32
      %shift_left3A_225 = vector.broadcast %shift_left3A_224 : i32 to vector<8x1024xi32>
      %shift_left3A_226 = arith.shli %add3A_222, %shift_left3A_225 : vector<8x1024xi32>
      %shift_right_logical3A_227 = arith.constant 19 : i32
      %shift_right_logical3A_228 = vector.broadcast %shift_right_logical3A_227 : i32 to vector<8x1024xi32>
      %shift_right_logical3A_229 = arith.shrui %add3A_222, %shift_right_logical3A_228 : vector<8x1024xi32>
      %or3A_230 = arith.ori %shift_left3A_226, %shift_right_logical3A_229 : vector<8x1024xi32>
      %xor3A_231 = arith.xori %add3A_223, %or3A_230 : vector<8x1024xi32>
      %add3A_232 = arith.addi %add3A_223, %xor3A_231 : vector<8x1024xi32>
      %shift_left3A_233 = arith.constant 15 : i32
      %shift_left3A_234 = vector.broadcast %shift_left3A_233 : i32 to vector<8x1024xi32>
      %shift_left3A_235 = arith.shli %xor3A_231, %shift_left3A_234 : vector<8x1024xi32>
      %shift_right_logical3A_236 = arith.constant 17 : i32
      %shift_right_logical3A_237 = vector.broadcast %shift_right_logical3A_236 : i32 to vector<8x1024xi32>
      %shift_right_logical3A_238 = arith.shrui %xor3A_231, %shift_right_logical3A_237 : vector<8x1024xi32>
      %or3A_239 = arith.ori %shift_left3A_235, %shift_right_logical3A_238 : vector<8x1024xi32>
      %xor3A_240 = arith.xori %add3A_232, %or3A_239 : vector<8x1024xi32>
      %add3A_241 = arith.addi %add3A_232, %xor3A_240 : vector<8x1024xi32>
      %shift_left3A_242 = arith.constant 26 : i32
      %shift_left3A_243 = vector.broadcast %shift_left3A_242 : i32 to vector<8x1024xi32>
      %shift_left3A_244 = arith.shli %xor3A_240, %shift_left3A_243 : vector<8x1024xi32>
      %shift_right_logical3A_245 = arith.constant 6 : i32
      %shift_right_logical3A_246 = vector.broadcast %shift_right_logical3A_245 : i32 to vector<8x1024xi32>
      %shift_right_logical3A_247 = arith.shrui %xor3A_240, %shift_right_logical3A_246 : vector<8x1024xi32>
      %or3A_248 = arith.ori %shift_left3A_244, %shift_right_logical3A_247 : vector<8x1024xi32>
      %xor3A_249 = arith.xori %add3A_241, %or3A_248 : vector<8x1024xi32>
      %add3A_250 = arith.addi %add3A_241, %xor3A_249 : vector<8x1024xi32>
      %shift_left3A_251 = arith.constant 6 : i32
      %shift_left3A_252 = vector.broadcast %shift_left3A_251 : i32 to vector<8x1024xi32>
      %shift_left3A_253 = arith.shli %xor3A_249, %shift_left3A_252 : vector<8x1024xi32>
      %shift_right_logical3A_254 = arith.constant 26 : i32
      %shift_right_logical3A_255 = vector.broadcast %shift_right_logical3A_254 : i32 to vector<8x1024xi32>
      %shift_right_logical3A_256 = arith.shrui %xor3A_249, %shift_right_logical3A_255 : vector<8x1024xi32>
      %or3A_257 = arith.ori %shift_left3A_253, %shift_right_logical3A_256 : vector<8x1024xi32>
      %xor3A_258 = arith.xori %add3A_250, %or3A_257 : vector<8x1024xi32>
      %add3A_259 = arith.constant -1244255485 : i32
      %add3A_260 = vector.broadcast %add3A_259 : i32 to vector<8x1024xi32>
      %add3A_261 = arith.addi %add3A_250, %add3A_260 : vector<8x1024xi32>
      %add3A_262 = arith.constant 64467762 : i32
      %add3A_263 = vector.broadcast %add3A_262 : i32 to vector<8x1024xi32>
      %add3A_264 = arith.addi %xor3A_258, %add3A_263 : vector<8x1024xi32>
      %xor3A_265 = arith.xori %add3A_261, %add3A_264 : vector<8x1024xi32>
      %shift_right_logical3A_266 = arith.constant 9 : i32
      %shift_right_logical3A_267 = vector.broadcast %shift_right_logical3A_266 : i32 to vector<8x1024xi32>
      %shift_right_logical3A_268 = arith.shrui %xor3A_265, %shift_right_logical3A_267 : vector<8x1024xi32>
      %or3A_269 = arith.constant 1065353216 : i32
      %or3A_270 = vector.broadcast %or3A_269 : i32 to vector<8x1024xi32>
      %or3A_271 = arith.ori %shift_right_logical3A_268, %or3A_270 : vector<8x1024xi32>
      %bitcast_convert_type3A = tpu.bitcast %or3A_271 : vector<8x1024xi32> -> vector<8x1024xf32>
      %sub3A = arith.constant 1.000000e+00 : f32
      %sub3A_272 = vector.broadcast %sub3A : f32 to vector<8x1024xf32>
      %sub3A_273 = arith.subf %bitcast_convert_type3A, %sub3A_272 : vector<8x1024xf32>
      %eq3A_274 = arith.constant 0 : i32
      %eq3A_275 = vector.broadcast %eq3A_274 : i32 to vector<8x1024xi32>
      %eq3A_276 = arith.cmpi eq, %shift_right_logical3A_268, %eq3A_275 : vector<8x1024xi32>
      %jit3A_277 = arith.constant 1.17549435E-38 : f32
      %broadcast_in_dim3A_278 = vector.broadcast %jit3A_277 : f32 to vector<8x1024xf32>
      %select_n3A_279 = arith.select %eq3A_276, %broadcast_in_dim3A_278, %sub3A_273 : vector<8x1024xi1>, vector<8x1024xf32>
      %log3A = math.log %select_n3A_279 : vector<8x1024xf32>
      %neg3A = arith.constant 0.000000e+00 : f32
      %neg3A_280 = vector.broadcast %neg3A : f32 to vector<8x1024xf32>
      %neg3A_281 = arith.subf %neg3A_280, %log3A : vector<8x1024xf32>
      %mul3A_282 = vector.broadcast %get3A_48 : vector<8x1xf32> to vector<8x1024xf32>
      %mul3A_283 = arith.mulf %neg3A_281, %mul3A_282 : vector<8x1024xf32>
      %broadcast_in_dim3A_284 = vector.shape_cast %get3A_41 : vector<8x1xi32> to vector<8x1xi32>
      %broadcast_in_dim3A_285 = vector.broadcast %broadcast_in_dim3A_284 : vector<8x1xi32> to vector<8x1024xi32>
      %lt3A = arith.cmpf olt, %mul3A_283, %while3A_34 : vector<8x1024xf32>
      %eq3A_286 = arith.cmpf oeq, %mul3A_283, %while3A_34 : vector<8x1024xf32>
      %lt3A_287 = arith.cmpi slt, %broadcast_in_dim3A_285, %while3A_35 : vector<8x1024xi32>
      %and3A = arith.andi %eq3A_286, %lt3A_287 : vector<8x1024xi1>
      %or3A_288 = arith.ori %lt3A, %and3A : vector<8x1024xi1>
      %select_n3A_289 = arith.select %or3A_288, %mul3A_283, %while3A_34 : vector<8x1024xi1>, vector<8x1024xf32>
      %select_n3A_290 = arith.select %or3A_288, %broadcast_in_dim3A_285, %while3A_35 : vector<8x1024xi1>, vector<8x1024xi32>
      %get3A_291 = arith.constant 0 : index
      %get3A_292 = arith.constant 0 : index
      %get3A_293 = arith.index_cast %while3A_33 : i32 to index
      %get3A_294 = memref.load %arg4[%get3A_291, %get3A_292, %get3A_293] : memref<1x1x512xf32, #tpu.memory_space<smem>>
      %lt3A_295 = vector.broadcast %get3A_294 : f32 to vector<8x1024xf32>
      %lt3A_296 = arith.cmpf olt, %select_n3A_289, %lt3A_295 : vector<8x1024xf32>
      %reduce_and3A = arith.constant 1.000000e+00 : f32
      %reduce_and3A_297 = arith.constant 0.000000e+00 : f32
      %reduce_and3A_298 = vector.broadcast %reduce_and3A : f32 to vector<8x1024xf32>
      %reduce_and3A_299 = vector.broadcast %reduce_and3A_297 : f32 to vector<8x1024xf32>
      %reduce_and3A_300 = arith.select %lt3A_296, %reduce_and3A_298, %reduce_and3A_299 : vector<8x1024xi1>, vector<8x1024xf32>
      %reduce_and3A_301 = vector.shape_cast %reduce_and3A_300 : vector<8x1024xf32> to vector<1x8x1024xf32>
      %reduce_and3A_302 = arith.constant dense<0x7F800000> : vector<1xf32>
      %reduce_and3A_303 = vector.multi_reduction <minimumf>, %reduce_and3A_301, %reduce_and3A_302 [1, 2] : vector<1x8x1024xf32> to vector<1xf32>
      %reduce_and3A_304 = vector.shape_cast %reduce_and3A_303 : vector<1xf32> to vector<1x1x1xf32>
      %reduce_and3A_305 = vector.extract %reduce_and3A_304[0, 0, 0] : f32 from vector<1x1x1xf32>
      %reduce_and3A_306 = arith.constant 0.000000e+00 : f32
      %reduce_and3A_307 = arith.cmpf ogt, %reduce_and3A_305, %reduce_and3A_306 : f32
      %add3A_308 = arith.constant 1 : i32
      %add3A_309 = arith.addi %while3A_33, %add3A_308 : i32
      %jit3A_310 = arith.constant 512 : i32
      %select_n3A_311 = arith.select %reduce_and3A_307, %jit3A_310, %add3A_309 : i32
      scf.yield %select_n3A_311, %select_n3A_289, %select_n3A_290 : i32, vector<8x1024xf32>, vector<8x1024xi32>
    }
    %reduce_min3A = arith.constant dense<0x7F800000> : vector<1024xf32>
    %reduce_min3A_15 = vector.multi_reduction <minimumf>, %while3A_14#1, %reduce_min3A [0] : vector<8x1024xf32> to vector<1024xf32>
    %broadcast_in_dim3A_16 = vector.shape_cast %reduce_min3A_15 : vector<1024xf32> to vector<1x1024xf32>
    %eq3A = vector.broadcast %broadcast_in_dim3A_16 : vector<1x1024xf32> to vector<8x1024xf32>
    %eq3A_17 = arith.cmpf oeq, %while3A_14#1, %eq3A : vector<8x1024xf32>
    %jit3A = arith.constant 2147483647 : i32
    %broadcast_in_dim3A_18 = vector.broadcast %jit3A : i32 to vector<8x1024xi32>
    %select_n3A = arith.select %eq3A_17, %while3A_14#2, %broadcast_in_dim3A_18 : vector<8x1024xi1>, vector<8x1024xi32>
    %reduce_min3A_19 = arith.constant dense<2147483647> : vector<1024xi32>
    %reduce_min3A_20 = vector.multi_reduction <minsi>, %select_n3A, %reduce_min3A_19 [0] : vector<8x1024xi32> to vector<1024xi32>
    %broadcast_in_dim3A_21 = vector.shape_cast %reduce_min3A_20 : vector<1024xi32> to vector<1x1024xi32>
    %swap3A = arith.constant 0 : index
    %swap3A_22 = arith.constant 0 : index
    %swap3A_23 = arith.constant 0 : index
    %swap3A_24 = vector.load %arg5[%swap3A, %swap3A_22, %swap3A_23] : memref<1x1x1024xi32, #tpu.memory_space<vmem>>, vector<1x1x1024xi32>
    %swap3A_25 = vector.shape_cast %swap3A_24 : vector<1x1x1024xi32> to vector<1x1024xi32>
    %swap3A_26 = vector.shape_cast %broadcast_in_dim3A_21 : vector<1x1024xi32> to vector<1x1x1024xi32>
    tpu.vector_store %arg5[%swap3A, %swap3A_22, %swap3A_23], %swap3A_26 {strides = array<i32>} : memref<1x1x1024xi32, #tpu.memory_space<vmem>>, vector<1x1x1024xi32>,
    %swap3A_27 = arith.constant 0 : index
    %swap3A_28 = arith.constant 0 : index
    %swap3A_29 = arith.constant 0 : index
    %swap3A_30 = vector.load %arg6[%swap3A_27, %swap3A_28, %swap3A_29] : memref<1x1x1024xf32, #tpu.memory_space<vmem>>, vector<1x1x1024xf32>
    %swap3A_31 = vector.shape_cast %swap3A_30 : vector<1x1x1024xf32> to vector<1x1024xf32>
    %swap3A_32 = vector.shape_cast %broadcast_in_dim3A_16 : vector<1x1024xf32> to vector<1x1x1024xf32>
    tpu.vector_store %arg6[%swap3A_27, %swap3A_28, %swap3A_29], %swap3A_32 {strides = array<i32>} : memref<1x1x1024xf32, #tpu.memory_space<vmem>>, vector<1x1x1024xf32>,
    return
  }
  func.func @transform_0(%arg0: i32, %arg1: i32) -> (i32, i32, i32) {
    %c0_i32 = arith.constant 0 : i32
    %c0_i32_0 = arith.constant 0 : i32
    %c0_i32_1 = arith.constant 0 : i32
    return %arg0, %c0_i32, %c0_i32_0 : i32, i32, i32
  }
  func.func @transform_1(%arg0: i32, %arg1: i32) -> (i32, i32, i32) {
    %c0_i32 = arith.constant 0 : i32
    %c0_i32_0 = arith.constant 0 : i32
    %c0_i32_1 = arith.constant 0 : i32
    return %arg0, %c0_i32, %c0_i32_0 : i32, i32, i32
  }
  func.func @transform_2(%arg0: i32, %arg1: i32) -> (i32, i32, i32) {
    %c0_i32 = arith.constant 0 : i32
    %c0_i32_0 = arith.constant 0 : i32
    %c0_i32_1 = arith.constant 0 : i32
    return %arg0, %c0_i32, %c0_i32_0 : i32, i32, i32
  }
  func.func @transform_3(%arg0: i32, %arg1: i32) -> (i32, i32, i32) {
    %mul3A = arith.constant 32 : i32
    %mul3A_0 = arith.muli %arg0, %mul3A : i32
    %add3A = arith.addi %mul3A_0, %arg1 : i32
    %c0_i32 = arith.constant 0 : i32
    %c0_i32_1 = arith.constant 0 : i32
    %c0_i32_2 = arith.constant 0 : i32
    return %add3A, %c0_i32, %c0_i32_1 : i32, i32, i32
  }
  func.func @transform_4(%arg0: i32, %arg1: i32) -> (i32, i32, i32) {
    %mul3A = arith.constant 32 : i32
    %mul3A_0 = arith.muli %arg0, %mul3A : i32
    %add3A = arith.addi %mul3A_0, %arg1 : i32
    %c0_i32 = arith.constant 0 : i32
    %c0_i32_1 = arith.constant 0 : i32
    %c0_i32_2 = arith.constant 0 : i32
    return %add3A, %c0_i32, %c0_i32_1 : i32, i32, i32
  }
}

module attributes {stable_mosaic.version = 14 : i64} {
  func.func @body(%arg0: i32, %arg1: i32, %arg2: memref<1x4096x1xi32, #tpu.memory_space<vmem>>, %arg3: memref<1x4096x1xf32, #tpu.memory_space<vmem>>, %arg4: memref<1x1x512xf32, #tpu.memory_space<smem>>, %arg5: memref<1x1x1024xi32, #tpu.memory_space<vmem>>, %arg6: memref<1x1x1024xf32, #tpu.memory_space<vmem>>) attributes {dimension_semantics = [#tpu.dimension_semantics<arbitrary>, #tpu.dimension_semantics<arbitrary>], iteration_bounds = array<i64: 64, 32>, scalar_prefetch = 0 : i64, scratch_operands = 0 : i64, tpu.core_type = #tpu.core_type<tc>, window_params = [{transform_indices = @transform_0, window_bounds = array<i64: 1, 4096, 1>}, {transform_indices = @transform_1, window_bounds = array<i64: 1, 4096, 1>}, {transform_indices = @transform_2, window_bounds = array<i64: 1, 1, 512>}, {transform_indices = @transform_3, window_bounds = array<i64: 1, 1, 1024>}, {transform_indices = @transform_4, window_bounds = array<i64: 1, 1, 1024>}]} {
    %iota3A = tpu.iota {dimensions = array<i32: 1>} : vector<8x1024xi32>
    %mul3A = arith.constant 1024 : i32
    %mul3A_0 = arith.muli %arg1, %mul3A : i32
    %add3A = vector.broadcast %mul3A_0 : i32 to vector<8x1024xi32>
    %add3A_1 = arith.addi %iota3A, %add3A : vector<8x1024xi32>
    %mul3A_2 = arith.constant 64 : i32
    %mul3A_3 = vector.broadcast %mul3A_2 : i32 to vector<8x1024xi32>
    %mul3A_4 = arith.muli %add3A_1, %mul3A_3 : vector<8x1024xi32>
    %add3A_5 = vector.broadcast %arg0 : i32 to vector<8x1024xi32>
    %add3A_6 = arith.addi %mul3A_4, %add3A_5 : vector<8x1024xi32>
    %shift_left3A = arith.constant 15 : i32
    %shift_left3A_7 = vector.broadcast %shift_left3A : i32 to vector<8x1024xi32>
    %shift_left3A_8 = arith.shli %add3A_6, %shift_left3A_7 : vector<8x1024xi32>
    %shift_right_logical3A = arith.constant 17 : i32
    %shift_right_logical3A_9 = vector.broadcast %shift_right_logical3A : i32 to vector<8x1024xi32>
    %shift_right_logical3A_10 = arith.shrui %add3A_6, %shift_right_logical3A_9 : vector<8x1024xi32>
    %broadcast_in_dim3A = arith.constant 3.000000e+38 : f32
    %broadcast_in_dim3A_11 = vector.broadcast %broadcast_in_dim3A : f32 to vector<8x1024xf32>
    %broadcast_in_dim3A_12 = arith.constant 2147483647 : i32
    %broadcast_in_dim3A_13 = vector.broadcast %broadcast_in_dim3A_12 : i32 to vector<8x1024xi32>
    %while3A = arith.constant 0 : i32
    %while3A_14:3 = scf.while (%while3A_33 = %while3A, %while3A_34 = %broadcast_in_dim3A_11, %while3A_35 = %broadcast_in_dim3A_13) : (i32, vector<8x1024xf32>, vector<8x1024xi32>) -> (i32, vector<8x1024xf32>, vector<8x1024xi32>) {
      %lt3A = arith.constant 512 : i32
      %lt3A_36 = arith.cmpi slt, %while3A_33, %lt3A : i32
      scf.condition(%lt3A_36) %while3A_33, %while3A_34, %while3A_35 : i32, vector<8x1024xf32>, vector<8x1024xi32>
    } do {
    ^bb0(%while3A_33: i32, %while3A_34: vector<8x1024xf32>, %while3A_35: vector<8x1024xi32>):
      %mul3A_36 = arith.constant 8 : i32
      %mul3A_37 = arith.muli %while3A_33, %mul3A_36 : i32
      %get3A = arith.constant 0 : index
      %get3A_38 = arith.index_cast %mul3A_37 : i32 to index
      %get3A_39 = arith.constant 0 : index
      %get3A_40 = vector.load %arg2[%get3A, %get3A_38, %get3A_39] : memref<1x4096x1xi32, #tpu.memory_space<vmem>>, vector<1x8x1xi32>
      %get3A_41 = vector.shape_cast %get3A_40 : vector<1x8x1xi32> to vector<8x1xi32>
      %mul3A_42 = arith.constant 8 : i32
      %mul3A_43 = arith.muli %while3A_33, %mul3A_42 : i32
      %get3A_44 = arith.constant 0 : index
      %get3A_45 = arith.index_cast %mul3A_43 : i32 to index
      %get3A_46 = arith.constant 0 : index
      %get3A_47 = vector.load %arg3[%get3A_44, %get3A_45, %get3A_46] : memref<1x4096x1xf32, #tpu.memory_space<vmem>>, vector<1x8x1xf32>
      %get3A_48 = vector.shape_cast %get3A_47 : vector<1x8x1xf32> to vector<8x1xf32>
      %add3A_49 = vector.broadcast %get3A_41 : vector<8x1xi32> to vector<8x1024xi32>
      %add3A_50 = arith.addi %shift_left3A_8, %add3A_49 : vector<8x1024xi32>
      %add3A_51 = arith.constant 64467757 : i32
      %add3A_52 = vector.broadcast %add3A_51 : i32 to vector<8x1024xi32>
      %add3A_53 = arith.addi %shift_right_logical3A_10, %add3A_52 : vector<8x1024xi32>
      %add3A_54 = arith.constant -1378843660 : i32
      %add3A_55 = vector.broadcast %add3A_54 : i32 to vector<8x1024xi32>
      %add3A_56 = arith.addi %add3A_50, %add3A_55 : vector<8x1024xi32>
      %add3A_57 = arith.addi %add3A_53, %add3A_56 : vector<8x1024xi32>
      %shift_left3A_58 = arith.constant 13 : i32
      %shift_left3A_59 = vector.broadcast %shift_left3A_58 : i32 to vector<8x1024xi32>
      %shift_left3A_60 = arith.shli %add3A_56, %shift_left3A_59 : vector<8x1024xi32>
      %shift_right_logical3A_61 = arith.constant 19 : i32
      %shift_right_logical3A_62 = vector.broadcast %shift_right_logical3A_61 : i32 to vector<8x1024xi32>
      %shift_right_logical3A_63 = arith.shrui %add3A_56, %shift_right_logical3A_62 : vector<8x1024xi32>
      %or3A = arith.ori %shift_left3A_60, %shift_right_logical3A_63 : vector<8x1024xi32>
      %xor3A = arith.xori %add3A_57, %or3A : vector<8x1024xi32>
      %add3A_64 = arith.addi %add3A_57, %xor3A : vector<8x1024xi32>
      %shift_left3A_65 = arith.constant 15 : i32
      %shift_left3A_66 = vector.broadcast %shift_left3A_65 : i32 to vector<8x1024xi32>
      %shift_left3A_67 = arith.shli %xor3A, %shift_left3A_66 : vector<8x1024xi32>
      %shift_right_logical3A_68 = arith.constant 17 : i32
      %shift_right_logical3A_69 = vector.broadcast %shift_right_logical3A_68 : i32 to vector<8x1024xi32>
      %shift_right_logical3A_70 = arith.shrui %xor3A, %shift_right_logical3A_69 : vector<8x1024xi32>
      %or3A_71 = arith.ori %shift_left3A_67, %shift_right_logical3A_70 : vector<8x1024xi32>
      %xor3A_72 = arith.xori %add3A_64, %or3A_71 : vector<8x1024xi32>
      %add3A_73 = arith.addi %add3A_64, %xor3A_72 : vector<8x1024xi32>
      %shift_left3A_74 = arith.constant 26 : i32
      %shift_left3A_75 = vector.broadcast %shift_left3A_74 : i32 to vector<8x1024xi32>
      %shift_left3A_76 = arith.shli %xor3A_72, %shift_left3A_75 : vector<8x1024xi32>
      %shift_right_logical3A_77 = arith.constant 6 : i32
      %shift_right_logical3A_78 = vector.broadcast %shift_right_logical3A_77 : i32 to vector<8x1024xi32>
      %shift_right_logical3A_79 = arith.shrui %xor3A_72, %shift_right_logical3A_78 : vector<8x1024xi32>
      %or3A_80 = arith.ori %shift_left3A_76, %shift_right_logical3A_79 : vector<8x1024xi32>
      %xor3A_81 = arith.xori %add3A_73, %or3A_80 : vector<8x1024xi32>
      %add3A_82 = arith.addi %add3A_73, %xor3A_81 : vector<8x1024xi32>
      %shift_left3A_83 = arith.constant 6 : i32
      %shift_left3A_84 = vector.broadcast %shift_left3A_83 : i32 to vector<8x1024xi32>
      %shift_left3A_85 = arith.shli %xor3A_81, %shift_left3A_84 : vector<8x1024xi32>
      %shift_right_logical3A_86 = arith.constant 26 : i32
      %shift_right_logical3A_87 = vector.broadcast %shift_right_logical3A_86 : i32 to vector<8x1024xi32>
      %shift_right_logical3A_88 = arith.shrui %xor3A_81, %shift_right_logical3A_87 : vector<8x1024xi32>
      %or3A_89 = arith.ori %shift_left3A_85, %shift_right_logical3A_88 : vector<8x1024xi32>
      %xor3A_90 = arith.xori %add3A_82, %or3A_89 : vector<8x1024xi32>
      %add3A_91 = arith.constant -1378843660 : i32
      %add3A_92 = vector.broadcast %add3A_91 : i32 to vector<8x1024xi32>
      %add3A_93 = arith.addi %add3A_82, %add3A_92 : vector<8x1024xi32>
      %add3A_94 = arith.constant -1244255484 : i32
      %add3A_95 = vector.broadcast %add3A_94 : i32 to vector<8x1024xi32>
      %add3A_96 = arith.addi %xor3A_90, %add3A_95 : vector<8x1024xi32>
      %add3A_97 = arith.addi %add3A_93, %add3A_96 : vector<8x1024xi32>
      %shift_left3A_98 = arith.constant 17 : i32
      %shift_left3A_99 = vector.broadcast %shift_left3A_98 : i32 to vector<8x1024xi32>
      %shift_left3A_100 = arith.shli %add3A_96, %shift_left3A_99 : vector<8x1024xi32>
      %shift_right_logical3A_101 = arith.constant 15 : i32
      %shift_right_logical3A_102 = vector.broadcast %shift_right_logical3A_101 : i32 to vector<8x1024xi32>
      %shift_right_logical3A_103 = arith.shrui %add3A_96, %shift_right_logical3A_102 : vector<8x1024xi32>
      %or3A_104 = arith.ori %shift_left3A_100, %shift_right_logical3A_103 : vector<8x1024xi32>
      %xor3A_105 = arith.xori %add3A_97, %or3A_104 : vector<8x1024xi32>
      %add3A_106 = arith.addi %add3A_97, %xor3A_105 : vector<8x1024xi32>
      %shift_left3A_107 = arith.constant 29 : i32
      %shift_left3A_108 = vector.broadcast %shift_left3A_107 : i32 to vector<8x1024xi32>
      %shift_left3A_109 = arith.shli %xor3A_105, %shift_left3A_108 : vector<8x1024xi32>
      %shift_right_logical3A_110 = arith.constant 3 : i32
      %shift_right_logical3A_111 = vector.broadcast %shift_right_logical3A_110 : i32 to vector<8x1024xi32>
      %shift_right_logical3A_112 = arith.shrui %xor3A_105, %shift_right_logical3A_111 : vector<8x1024xi32>
      %or3A_113 = arith.ori %shift_left3A_109, %shift_right_logical3A_112 : vector<8x1024xi32>
      %xor3A_114 = arith.xori %add3A_106, %or3A_113 : vector<8x1024xi32>
      %add3A_115 = arith.addi %add3A_106, %xor3A_114 : vector<8x1024xi32>
      %shift_left3A_116 = arith.constant 16 : i32
      %shift_left3A_117 = vector.broadcast %shift_left3A_116 : i32 to vector<8x1024xi32>
      %shift_left3A_118 = arith.shli %xor3A_114, %shift_left3A_117 : vector<8x1024xi32>
      %shift_right_logical3A_119 = arith.constant 16 : i32
      %shift_right_logical3A_120 = vector.broadcast %shift_right_logical3A_119 : i32 to vector<8x1024xi32>
      %shift_right_logical3A_121 = arith.shrui %xor3A_114, %shift_right_logical3A_120 : vector<8x1024xi32>
      %or3A_122 = arith.ori %shift_left3A_118, %shift_right_logical3A_121 : vector<8x1024xi32>
      %xor3A_123 = arith.xori %add3A_115, %or3A_122 : vector<8x1024xi32>
      %add3A_124 = arith.addi %add3A_115, %xor3A_123 : vector<8x1024xi32>
      %shift_left3A_125 = arith.constant 24 : i32
      %shift_left3A_126 = vector.broadcast %shift_left3A_125 : i32 to vector<8x1024xi32>
      %shift_left3A_127 = arith.shli %xor3A_123, %shift_left3A_126 : vector<8x1024xi32>
      %shift_right_logical3A_128 = arith.constant 8 : i32
      %shift_right_logical3A_129 = vector.broadcast %shift_right_logical3A_128 : i32 to vector<8x1024xi32>
      %shift_right_logical3A_130 = arith.shrui %xor3A_123, %shift_right_logical3A_129 : vector<8x1024xi32>
      %or3A_131 = arith.ori %shift_left3A_127, %shift_right_logical3A_130 : vector<8x1024xi32>
      %xor3A_132 = arith.xori %add3A_124, %or3A_131 : vector<8x1024xi32>
      %add3A_133 = arith.constant -1244255485 : i32
      %add3A_134 = vector.broadcast %add3A_133 : i32 to vector<8x1024xi32>
      %add3A_135 = arith.addi %add3A_124, %add3A_134 : vector<8x1024xi32>
      %add3A_136 = arith.constant 64467759 : i32
      %add3A_137 = vector.broadcast %add3A_136 : i32 to vector<8x1024xi32>
      %add3A_138 = arith.addi %xor3A_132, %add3A_137 : vector<8x1024xi32>
      %add3A_139 = arith.addi %add3A_135, %add3A_138 : vector<8x1024xi32>
      %shift_left3A_140 = arith.constant 13 : i32
      %shift_left3A_141 = vector.broadcast %shift_left3A_140 : i32 to vector<8x1024xi32>
      %shift_left3A_142 = arith.shli %add3A_138, %shift_left3A_141 : vector<8x1024xi32>
      %shift_right_logical3A_143 = arith.constant 19 : i32
      %shift_right_logical3A_144 = vector.broadcast %shift_right_logical3A_143 : i32 to vector<8x1024xi32>
      %shift_right_logical3A_145 = arith.shrui %add3A_138, %shift_right_logical3A_144 : vector<8x1024xi32>
      %or3A_146 = arith.ori %shift_left3A_142, %shift_right_logical3A_145 : vector<8x1024xi32>
      %xor3A_147 = arith.xori %add3A_139, %or3A_146 : vector<8x1024xi32>
      %add3A_148 = arith.addi %add3A_139, %xor3A_147 : vector<8x1024xi32>
      %shift_left3A_149 = arith.constant 15 : i32
      %shift_left3A_150 = vector.broadcast %shift_left3A_149 : i32 to vector<8x1024xi32>
      %shift_left3A_151 = arith.shli %xor3A_147, %shift_left3A_150 : vector<8x1024xi32>
      %shift_right_logical3A_152 = arith.constant 17 : i32
      %shift_right_logical3A_153 = vector.broadcast %shift_right_logical3A_152 : i32 to vector<8x1024xi32>
      %shift_right_logical3A_154 = arith.shrui %xor3A_147, %shift_right_logical3A_153 : vector<8x1024xi32>
      %or3A_155 = arith.ori %shift_left3A_151, %shift_right_logical3A_154 : vector<8x1024xi32>
      %xor3A_156 = arith.xori %add3A_148, %or3A_155 : vector<8x1024xi32>
      %add3A_157 = arith.addi %add3A_148, %xor3A_156 : vector<8x1024xi32>
      %shift_left3A_158 = arith.constant 26 : i32
      %shift_left3A_159 = vector.broadcast %shift_left3A_158 : i32 to vector<8x1024xi32>
      %shift_left3A_160 = arith.shli %xor3A_156, %shift_left3A_159 : vector<8x1024xi32>
      %shift_right_logical3A_161 = arith.constant 6 : i32
      %shift_right_logical3A_162 = vector.broadcast %shift_right_logical3A_161 : i32 to vector<8x1024xi32>
      %shift_right_logical3A_163 = arith.shrui %xor3A_156, %shift_right_logical3A_162 : vector<8x1024xi32>
      %or3A_164 = arith.ori %shift_left3A_160, %shift_right_logical3A_163 : vector<8x1024xi32>
      %xor3A_165 = arith.xori %add3A_157, %or3A_164 : vector<8x1024xi32>
      %add3A_166 = arith.addi %add3A_157, %xor3A_165 : vector<8x1024xi32>
      %shift_left3A_167 = arith.constant 6 : i32
      %shift_left3A_168 = vector.broadcast %shift_left3A_167 : i32 to vector<8x1024xi32>
      %shift_left3A_169 = arith.shli %xor3A_165, %shift_left3A_168 : vector<8x1024xi32>
      %shift_right_logical3A_170 = arith.constant 26 : i32
      %shift_right_logical3A_171 = vector.broadcast %shift_right_logical3A_170 : i32 to vector<8x1024xi32>
      %shift_right_logical3A_172 = arith.shrui %xor3A_165, %shift_right_logical3A_171 : vector<8x1024xi32>
      %or3A_173 = arith.ori %shift_left3A_169, %shift_right_logical3A_172 : vector<8x1024xi32>
      %xor3A_174 = arith.xori %add3A_166, %or3A_173 : vector<8x1024xi32>
      %add3A_175 = arith.constant 64467757 : i32
      %add3A_176 = vector.broadcast %add3A_175 : i32 to vector<8x1024xi32>
      %add3A_177 = arith.addi %add3A_166, %add3A_176 : vector<8x1024xi32>
      %add3A_178 = arith.constant -1378843657 : i32
      %add3A_179 = vector.broadcast %add3A_178 : i32 to vector<8x1024xi32>
      %add3A_180 = arith.addi %xor3A_174, %add3A_179 : vector<8x1024xi32>
      %add3A_181 = arith.addi %add3A_177, %add3A_180 : vector<8x1024xi32>
      %shift_left3A_182 = arith.constant 17 : i32
      %shift_left3A_183 = vector.broadcast %shift_left3A_182 : i32 to vector<8x1024xi32>
      %shift_left3A_184 = arith.shli %add3A_180, %shift_left3A_183 : vector<8x1024xi32>
      %shift_right_logical3A_185 = arith.constant 15 : i32
      %shift_right_logical3A_186 = vector.broadcast %shift_right_logical3A_185 : i32 to vector<8x1024xi32>
      %shift_right_logical3A_187 = arith.shrui %add3A_180, %shift_right_logical3A_186 : vector<8x1024xi32>
      %or3A_188 = arith.ori %shift_left3A_184, %shift_right_logical3A_187 : vector<8x1024xi32>
      %xor3A_189 = arith.xori %add3A_181, %or3A_188 : vector<8x1024xi32>
      %add3A_190 = arith.addi %add3A_181, %xor3A_189 : vector<8x1024xi32>
      %shift_left3A_191 = arith.constant 29 : i32
      %shift_left3A_192 = vector.broadcast %shift_left3A_191 : i32 to vector<8x1024xi32>
      %shift_left3A_193 = arith.shli %xor3A_189, %shift_left3A_192 : vector<8x1024xi32>
      %shift_right_logical3A_194 = arith.constant 3 : i32
      %shift_right_logical3A_195 = vector.broadcast %shift_right_logical3A_194 : i32 to vector<8x1024xi32>
      %shift_right_logical3A_196 = arith.shrui %xor3A_189, %shift_right_logical3A_195 : vector<8x1024xi32>
      %or3A_197 = arith.ori %shift_left3A_193, %shift_right_logical3A_196 : vector<8x1024xi32>
      %xor3A_198 = arith.xori %add3A_190, %or3A_197 : vector<8x1024xi32>
      %add3A_199 = arith.addi %add3A_190, %xor3A_198 : vector<8x1024xi32>
      %shift_left3A_200 = arith.constant 16 : i32
      %shift_left3A_201 = vector.broadcast %shift_left3A_200 : i32 to vector<8x1024xi32>
      %shift_left3A_202 = arith.shli %xor3A_198, %shift_left3A_201 : vector<8x1024xi32>
      %shift_right_logical3A_203 = arith.constant 16 : i32
      %shift_right_logical3A_204 = vector.broadcast %shift_right_logical3A_203 : i32 to vector<8x1024xi32>
      %shift_right_logical3A_205 = arith.shrui %xor3A_198, %shift_right_logical3A_204 : vector<8x1024xi32>
      %or3A_206 = arith.ori %shift_left3A_202, %shift_right_logical3A_205 : vector<8x1024xi32>
      %xor3A_207 = arith.xori %add3A_199, %or3A_206 : vector<8x1024xi32>
      %add3A_208 = arith.addi %add3A_199, %xor3A_207 : vector<8x1024xi32>
      %shift_left3A_209 = arith.constant 24 : i32
      %shift_left3A_210 = vector.broadcast %shift_left3A_209 : i32 to vector<8x1024xi32>
      %shift_left3A_211 = arith.shli %xor3A_207, %shift_left3A_210 : vector<8x1024xi32>
      %shift_right_logical3A_212 = arith.constant 8 : i32
      %shift_right_logical3A_213 = vector.broadcast %shift_right_logical3A_212 : i32 to vector<8x1024xi32>
      %shift_right_logical3A_214 = arith.shrui %xor3A_207, %shift_right_logical3A_213 : vector<8x1024xi32>
      %or3A_215 = arith.ori %shift_left3A_211, %shift_right_logical3A_214 : vector<8x1024xi32>
      %xor3A_216 = arith.xori %add3A_208, %or3A_215 : vector<8x1024xi32>
      %add3A_217 = arith.constant -1378843660 : i32
      %add3A_218 = vector.broadcast %add3A_217 : i32 to vector<8x1024xi32>
      %add3A_219 = arith.addi %add3A_208, %add3A_218 : vector<8x1024xi32>
      %add3A_220 = arith.constant -1244255481 : i32
      %add3A_221 = vector.broadcast %add3A_220 : i32 to vector<8x1024xi32>
      %add3A_222 = arith.addi %xor3A_216, %add3A_221 : vector<8x1024xi32>
      %add3A_223 = arith.addi %add3A_219, %add3A_222 : vector<8x1024xi32>
      %shift_left3A_224 = arith.constant 13 : i32
      %shift_left3A_225 = vector.broadcast %shift_left3A_224 : i32 to vector<8x1024xi32>
      %shift_left3A_226 = arith.shli %add3A_222, %shift_left3A_225 : vector<8x1024xi32>
      %shift_right_logical3A_227 = arith.constant 19 : i32
      %shift_right_logical3A_228 = vector.broadcast %shift_right_logical3A_227 : i32 to vector<8x1024xi32>
      %shift_right_logical3A_229 = arith.shrui %add3A_222, %shift_right_logical3A_228 : vector<8x1024xi32>
      %or3A_230 = arith.ori %shift_left3A_226, %shift_right_logical3A_229 : vector<8x1024xi32>
      %xor3A_231 = arith.xori %add3A_223, %or3A_230 : vector<8x1024xi32>
      %add3A_232 = arith.addi %add3A_223, %xor3A_231 : vector<8x1024xi32>
      %shift_left3A_233 = arith.constant 15 : i32
      %shift_left3A_234 = vector.broadcast %shift_left3A_233 : i32 to vector<8x1024xi32>
      %shift_left3A_235 = arith.shli %xor3A_231, %shift_left3A_234 : vector<8x1024xi32>
      %shift_right_logical3A_236 = arith.constant 17 : i32
      %shift_right_logical3A_237 = vector.broadcast %shift_right_logical3A_236 : i32 to vector<8x1024xi32>
      %shift_right_logical3A_238 = arith.shrui %xor3A_231, %shift_right_logical3A_237 : vector<8x1024xi32>
      %or3A_239 = arith.ori %shift_left3A_235, %shift_right_logical3A_238 : vector<8x1024xi32>
      %xor3A_240 = arith.xori %add3A_232, %or3A_239 : vector<8x1024xi32>
      %add3A_241 = arith.addi %add3A_232, %xor3A_240 : vector<8x1024xi32>
      %shift_left3A_242 = arith.constant 26 : i32
      %shift_left3A_243 = vector.broadcast %shift_left3A_242 : i32 to vector<8x1024xi32>
      %shift_left3A_244 = arith.shli %xor3A_240, %shift_left3A_243 : vector<8x1024xi32>
      %shift_right_logical3A_245 = arith.constant 6 : i32
      %shift_right_logical3A_246 = vector.broadcast %shift_right_logical3A_245 : i32 to vector<8x1024xi32>
      %shift_right_logical3A_247 = arith.shrui %xor3A_240, %shift_right_logical3A_246 : vector<8x1024xi32>
      %or3A_248 = arith.ori %shift_left3A_244, %shift_right_logical3A_247 : vector<8x1024xi32>
      %xor3A_249 = arith.xori %add3A_241, %or3A_248 : vector<8x1024xi32>
      %add3A_250 = arith.addi %add3A_241, %xor3A_249 : vector<8x1024xi32>
      %shift_left3A_251 = arith.constant 6 : i32
      %shift_left3A_252 = vector.broadcast %shift_left3A_251 : i32 to vector<8x1024xi32>
      %shift_left3A_253 = arith.shli %xor3A_249, %shift_left3A_252 : vector<8x1024xi32>
      %shift_right_logical3A_254 = arith.constant 26 : i32
      %shift_right_logical3A_255 = vector.broadcast %shift_right_logical3A_254 : i32 to vector<8x1024xi32>
      %shift_right_logical3A_256 = arith.shrui %xor3A_249, %shift_right_logical3A_255 : vector<8x1024xi32>
      %or3A_257 = arith.ori %shift_left3A_253, %shift_right_logical3A_256 : vector<8x1024xi32>
      %xor3A_258 = arith.xori %add3A_250, %or3A_257 : vector<8x1024xi32>
      %add3A_259 = arith.constant -1244255485 : i32
      %add3A_260 = vector.broadcast %add3A_259 : i32 to vector<8x1024xi32>
      %add3A_261 = arith.addi %add3A_250, %add3A_260 : vector<8x1024xi32>
      %add3A_262 = arith.constant 64467762 : i32
      %add3A_263 = vector.broadcast %add3A_262 : i32 to vector<8x1024xi32>
      %add3A_264 = arith.addi %xor3A_258, %add3A_263 : vector<8x1024xi32>
      %xor3A_265 = arith.xori %add3A_261, %add3A_264 : vector<8x1024xi32>
      %shift_right_logical3A_266 = arith.constant 9 : i32
      %shift_right_logical3A_267 = vector.broadcast %shift_right_logical3A_266 : i32 to vector<8x1024xi32>
      %shift_right_logical3A_268 = arith.shrui %xor3A_265, %shift_right_logical3A_267 : vector<8x1024xi32>
      %or3A_269 = arith.constant 1065353216 : i32
      %or3A_270 = vector.broadcast %or3A_269 : i32 to vector<8x1024xi32>
      %or3A_271 = arith.ori %shift_right_logical3A_268, %or3A_270 : vector<8x1024xi32>
      %bitcast_convert_type3A = tpu.bitcast %or3A_271 : vector<8x1024xi32> -> vector<8x1024xf32>
      %sub3A = arith.constant 1.000000e+00 : f32
      %sub3A_272 = vector.broadcast %sub3A : f32 to vector<8x1024xf32>
      %sub3A_273 = arith.subf %bitcast_convert_type3A, %sub3A_272 : vector<8x1024xf32>
      %eq3A_274 = arith.constant 0 : i32
      %eq3A_275 = vector.broadcast %eq3A_274 : i32 to vector<8x1024xi32>
      %eq3A_276 = arith.cmpi eq, %shift_right_logical3A_268, %eq3A_275 : vector<8x1024xi32>
      %jit3A_277 = arith.constant 1.17549435E-38 : f32
      %broadcast_in_dim3A_278 = vector.broadcast %jit3A_277 : f32 to vector<8x1024xf32>
      %select_n3A_279 = arith.select %eq3A_276, %broadcast_in_dim3A_278, %sub3A_273 : vector<8x1024xi1>, vector<8x1024xf32>
      %log3A = math.log %select_n3A_279 : vector<8x1024xf32>
      %neg3A = arith.constant 0.000000e+00 : f32
      %neg3A_280 = vector.broadcast %neg3A : f32 to vector<8x1024xf32>
      %neg3A_281 = arith.subf %neg3A_280, %log3A : vector<8x1024xf32>
      %mul3A_282 = vector.broadcast %get3A_48 : vector<8x1xf32> to vector<8x1024xf32>
      %mul3A_283 = arith.mulf %neg3A_281, %mul3A_282 : vector<8x1024xf32>
      %broadcast_in_dim3A_284 = vector.shape_cast %get3A_41 : vector<8x1xi32> to vector<8x1xi32>
      %broadcast_in_dim3A_285 = vector.broadcast %broadcast_in_dim3A_284 : vector<8x1xi32> to vector<8x1024xi32>
      %lt3A = arith.cmpf olt, %mul3A_283, %while3A_34 : vector<8x1024xf32>
      %eq3A_286 = arith.cmpf oeq, %mul3A_283, %while3A_34 : vector<8x1024xf32>
      %lt3A_287 = arith.cmpi slt, %broadcast_in_dim3A_285, %while3A_35 : vector<8x1024xi32>
      %and3A = arith.andi %eq3A_286, %lt3A_287 : vector<8x1024xi1>
      %or3A_288 = arith.ori %lt3A, %and3A : vector<8x1024xi1>
      %select_n3A_289 = arith.select %or3A_288, %mul3A_283, %while3A_34 : vector<8x1024xi1>, vector<8x1024xf32>
      %select_n3A_290 = arith.select %or3A_288, %broadcast_in_dim3A_285, %while3A_35 : vector<8x1024xi1>, vector<8x1024xi32>
      %get3A_291 = arith.constant 0 : index
      %get3A_292 = arith.constant 0 : index
      %get3A_293 = arith.index_cast %while3A_33 : i32 to index
      %get3A_294 = memref.load %arg4[%get3A_291, %get3A_292, %get3A_293] : memref<1x1x512xf32, #tpu.memory_space<smem>>
      %lt3A_295 = vector.broadcast %get3A_294 : f32 to vector<8x1024xf32>
      %lt3A_296 = arith.cmpf olt, %select_n3A_289, %lt3A_295 : vector<8x1024xf32>
      %reduce_and3A = arith.constant 1.000000e+00 : f32
      %reduce_and3A_297 = arith.constant 0.000000e+00 : f32
      %reduce_and3A_298 = vector.broadcast %reduce_and3A : f32 to vector<8x1024xf32>
      %reduce_and3A_299 = vector.broadcast %reduce_and3A_297 : f32 to vector<8x1024xf32>
      %reduce_and3A_300 = arith.select %lt3A_296, %reduce_and3A_298, %reduce_and3A_299 : vector<8x1024xi1>, vector<8x1024xf32>
      %reduce_and3A_301 = vector.shape_cast %reduce_and3A_300 : vector<8x1024xf32> to vector<1x8x1024xf32>
      %reduce_and3A_302 = arith.constant dense<0x7F800000> : vector<1xf32>
      %reduce_and3A_303 = vector.multi_reduction <minimumf>, %reduce_and3A_301, %reduce_and3A_302 [1, 2] : vector<1x8x1024xf32> to vector<1xf32>
      %reduce_and3A_304 = vector.shape_cast %reduce_and3A_303 : vector<1xf32> to vector<1x1x1xf32>
      %reduce_and3A_305 = vector.extract %reduce_and3A_304[0, 0, 0] : f32 from vector<1x1x1xf32>
      %reduce_and3A_306 = arith.constant 0.000000e+00 : f32
      %reduce_and3A_307 = arith.cmpf ogt, %reduce_and3A_305, %reduce_and3A_306 : f32
      %add3A_308 = arith.constant 1 : i32
      %add3A_309 = arith.addi %while3A_33, %add3A_308 : i32
      %jit3A_310 = arith.constant 512 : i32
      %select_n3A_311 = arith.select %reduce_and3A_307, %jit3A_310, %add3A_309 : i32
      scf.yield %select_n3A_311, %select_n3A_289, %select_n3A_290 : i32, vector<8x1024xf32>, vector<8x1024xi32>
    }
    %reduce_min3A = arith.constant dense<0x7F800000> : vector<1024xf32>
    %reduce_min3A_15 = vector.multi_reduction <minimumf>, %while3A_14#1, %reduce_min3A [0] : vector<8x1024xf32> to vector<1024xf32>
    %broadcast_in_dim3A_16 = vector.shape_cast %reduce_min3A_15 : vector<1024xf32> to vector<1x1024xf32>
    %eq3A = vector.broadcast %broadcast_in_dim3A_16 : vector<1x1024xf32> to vector<8x1024xf32>
    %eq3A_17 = arith.cmpf oeq, %while3A_14#1, %eq3A : vector<8x1024xf32>
    %jit3A = arith.constant 2147483647 : i32
    %broadcast_in_dim3A_18 = vector.broadcast %jit3A : i32 to vector<8x1024xi32>
    %select_n3A = arith.select %eq3A_17, %while3A_14#2, %broadcast_in_dim3A_18 : vector<8x1024xi1>, vector<8x1024xi32>
    %reduce_min3A_19 = arith.constant dense<2147483647> : vector<1024xi32>
    %reduce_min3A_20 = vector.multi_reduction <minsi>, %select_n3A, %reduce_min3A_19 [0] : vector<8x1024xi32> to vector<1024xi32>
    %broadcast_in_dim3A_21 = vector.shape_cast %reduce_min3A_20 : vector<1024xi32> to vector<1x1024xi32>
    %swap3A = arith.constant 0 : index
    %swap3A_22 = arith.constant 0 : index
    %swap3A_23 = arith.constant 0 : index
    %swap3A_24 = vector.load %arg5[%swap3A, %swap3A_22, %swap3A_23] : memref<1x1x1024xi32, #tpu.memory_space<vmem>>, vector<1x1x1024xi32>
    %swap3A_25 = vector.shape_cast %swap3A_24 : vector<1x1x1024xi32> to vector<1x1024xi32>
    %swap3A_26 = vector.shape_cast %broadcast_in_dim3A_21 : vector<1x1024xi32> to vector<1x1x1024xi32>
    tpu.vector_store %arg5[%swap3A, %swap3A_22, %swap3A_23], %swap3A_26 {strides = array<i32>} : memref<1x1x1024xi32, #tpu.memory_space<vmem>>, vector<1x1x1024xi32>,
    %swap3A_27 = arith.constant 0 : index
    %swap3A_28 = arith.constant 0 : index
    %swap3A_29 = arith.constant 0 : index
    %swap3A_30 = vector.load %arg6[%swap3A_27, %swap3A_28, %swap3A_29] : memref<1x1x1024xf32, #tpu.memory_space<vmem>>, vector<1x1x1024xf32>
    %swap3A_31 = vector.shape_cast %swap3A_30 : vector<1x1x1024xf32> to vector<1x1024xf32>
    %swap3A_32 = vector.shape_cast %broadcast_in_dim3A_16 : vector<1x1024xf32> to vector<1x1x1024xf32>
    tpu.vector_store %arg6[%swap3A_27, %swap3A_28, %swap3A_29], %swap3A_32 {strides = array<i32>} : memref<1x1x1024xf32, #tpu.memory_space<vmem>>, vector<1x1x1024xf32>,
    return
  }
  func.func @transform_0(%arg0: i32, %arg1: i32) -> (i32, i32, i32) {
    %c0_i32 = arith.constant 0 : i32
    %c0_i32_0 = arith.constant 0 : i32
    %c0_i32_1 = arith.constant 0 : i32
    return %arg0, %c0_i32, %c0_i32_0 : i32, i32, i32
  }
  func.func @transform_1(%arg0: i32, %arg1: i32) -> (i32, i32, i32) {
    %c0_i32 = arith.constant 0 : i32
    %c0_i32_0 = arith.constant 0 : i32
    %c0_i32_1 = arith.constant 0 : i32
    return %arg0, %c0_i32, %c0_i32_0 : i32, i32, i32
  }
  func.func @transform_2(%arg0: i32, %arg1: i32) -> (i32, i32, i32) {
    %c0_i32 = arith.constant 0 : i32
    %c0_i32_0 = arith.constant 0 : i32
    %c0_i32_1 = arith.constant 0 : i32
    return %arg0, %c0_i32, %c0_i32_0 : i32, i32, i32
  }
  func.func @transform_3(%arg0: i32, %arg1: i32) -> (i32, i32, i32) {
    %mul3A = arith.constant 32 : i32
    %mul3A_0 = arith.muli %arg0, %mul3A : i32
    %add3A = arith.addi %mul3A_0, %arg1 : i32
    %c0_i32 = arith.constant 0 : i32
    %c0_i32_1 = arith.constant 0 : i32
    %c0_i32_2 = arith.constant 0 : i32
    return %add3A, %c0_i32, %c0_i32_1 : i32, i32, i32
  }
  func.func @transform_4(%arg0: i32, %arg1: i32) -> (i32, i32, i32) {
    %mul3A = arith.constant 32 : i32
    %mul3A_0 = arith.muli %arg0, %mul3A : i32
    %add3A = arith.addi %mul3A_0, %arg1 : i32
    %c0_i32 = arith.constant 0 : i32
    %c0_i32_1 = arith.constant 0 : i32
    %c0_i32_2 = arith.constant 0 : i32
    return %add3A, %c0_i32, %c0_i32_1 : i32, i32, i32
  }
}

module attributes {stable_mosaic.version = 14 : i64} {
  func.func @_k1c_body(%arg0: i32, %arg1: i32, %arg2: memref<1x1x4096xf32, #tpu.memory_space<vmem>>, %arg3: memref<1x4096x16xf32, #tpu.memory_space<vmem>>, %arg4: memref<1x1x16xf32, #tpu.memory_space<vmem>>) attributes {dimension_semantics = [#tpu.dimension_semantics<arbitrary>, #tpu.dimension_semantics<arbitrary>], iteration_bounds = array<i64: 64, 8>, scalar_prefetch = 0 : i64, scratch_operands = 0 : i64, tpu.core_type = #tpu.core_type<tc>, window_params = [{transform_indices = @transform_0, window_bounds = array<i64: 1, 1, 4096>}, {transform_indices = @transform_1, window_bounds = array<i64: 1, 4096, 16>}, {transform_indices = @transform_2, window_bounds = array<i64: 1, 1, 16>}]} {
    %eq3A = arith.constant 0 : i32
    %eq3A_0 = arith.cmpi eq, %arg1, %eq3A : i32
    %convert_element_type3A = arith.extui %eq3A_0 : i1 to i32
    %cond3A = arith.constant 0 : i32
    %cond3A_1 = arith.cmpi ne, %convert_element_type3A, %cond3A : i32
    scf.if %cond3A_1 {
      %broadcast_in_dim3A = arith.constant 0.000000e+00 : f32
      %broadcast_in_dim3A_22 = vector.broadcast %broadcast_in_dim3A : f32 to vector<1x16xf32>
      %swap3A_23 = arith.constant 0 : index
      %swap3A_24 = arith.constant 0 : index
      %swap3A_25 = arith.constant 0 : index
      %swap3A_26 = vector.load %arg4[%swap3A_23, %swap3A_24, %swap3A_25] : memref<1x1x16xf32, #tpu.memory_space<vmem>>, vector<1x1x16xf32>
      %swap3A_27 = vector.shape_cast %swap3A_26 : vector<1x1x16xf32> to vector<1x16xf32>
      %swap3A_28 = vector.shape_cast %broadcast_in_dim3A_22 : vector<1x16xf32> to vector<1x1x16xf32>
      tpu.vector_store %arg4[%swap3A_23, %swap3A_24, %swap3A_25], %swap3A_28 {strides = array<i32>} : memref<1x1x16xf32, #tpu.memory_space<vmem>>, vector<1x1x16xf32>,
    } else {
    }
    %get3A = arith.constant 0 : index
    %get3A_2 = arith.constant 0 : index
    %get3A_3 = arith.constant 0 : index
    %get3A_4 = vector.load %arg4[%get3A, %get3A_2, %get3A_3] : memref<1x1x16xf32, #tpu.memory_space<vmem>>, vector<1x1x16xf32>
    %get3A_5 = vector.shape_cast %get3A_4 : vector<1x1x16xf32> to vector<1x16xf32>
    %get3A_6 = arith.constant 0 : index
    %get3A_7 = arith.constant 0 : index
    %get3A_8 = arith.constant 0 : index
    %get3A_9 = vector.load %arg2[%get3A_6, %get3A_7, %get3A_8] : memref<1x1x4096xf32, #tpu.memory_space<vmem>>, vector<1x1x4096xf32>
    %get3A_10 = vector.shape_cast %get3A_9 : vector<1x1x4096xf32> to vector<1x4096xf32>
    %exp3A = math.exp %get3A_10 : vector<1x4096xf32>
    %get3A_11 = arith.constant 0 : index
    %get3A_12 = arith.constant 0 : index
    %get3A_13 = arith.constant 0 : index
    %get3A_14 = vector.load %arg3[%get3A_11, %get3A_12, %get3A_13] : memref<1x4096x16xf32, #tpu.memory_space<vmem>>, vector<1x4096x16xf32>
    %get3A_15 = vector.shape_cast %get3A_14 : vector<1x4096x16xf32> to vector<4096x16xf32>
    %dot_general3A = arith.constant dense<0.000000e+00> : vector<1x16xf32>
    %dot_general3A_16 = tpu.matmul %exp3A, %get3A_15, %dot_general3A {dimension_numbers = #tpu.dot_dimension_numbers<[1], [0], [0], [1], [0, 0, 1, 1], [], []>, transpose_lhs_hint = false} : vector<1x4096xf32>, vector<4096x16xf32>, vector<1x16xf32> -> vector<1x16xf32>
    %add3A = arith.addf %get3A_5, %dot_general3A_16 : vector<1x16xf32>
    %swap3A = arith.constant 0 : index
    %swap3A_17 = arith.constant 0 : index
    %swap3A_18 = arith.constant 0 : index
    %swap3A_19 = vector.load %arg4[%swap3A, %swap3A_17, %swap3A_18] : memref<1x1x16xf32, #tpu.memory_space<vmem>>, vector<1x1x16xf32>
    %swap3A_20 = vector.shape_cast %swap3A_19 : vector<1x1x16xf32> to vector<1x16xf32>
    %swap3A_21 = vector.shape_cast %add3A : vector<1x16xf32> to vector<1x1x16xf32>
    tpu.vector_store %arg4[%swap3A, %swap3A_17, %swap3A_18], %swap3A_21 {strides = array<i32>} : memref<1x1x16xf32, #tpu.memory_space<vmem>>, vector<1x1x16xf32>,
    return
  }
  func.func @transform_0(%arg0: i32, %arg1: i32) -> (i32, i32, i32) {
    %c0_i32 = arith.constant 0 : i32
    %c0_i32_0 = arith.constant 0 : i32
    return %arg0, %c0_i32, %arg1 : i32, i32, i32
  }
  func.func @transform_1(%arg0: i32, %arg1: i32) -> (i32, i32, i32) {
    %c0_i32 = arith.constant 0 : i32
    %c0_i32_0 = arith.constant 0 : i32
    return %arg0, %arg1, %c0_i32 : i32, i32, i32
  }
  func.func @transform_2(%arg0: i32, %arg1: i32) -> (i32, i32, i32) {
    %c0_i32 = arith.constant 0 : i32
    %c0_i32_0 = arith.constant 0 : i32
    %c0_i32_1 = arith.constant 0 : i32
    return %arg0, %c0_i32, %c0_i32_0 : i32, i32, i32
  }
}

</mosaic_0001>

<sc_bundles>
// kernel: kernel.8.cloned.1.call-start
scs
__scs_entry_jumppad:
0x0: {  	(pc) =	sbr.rel $0x88, $3  }
0x1: {  	(tag) =	ssettag $0x0;
	lr =	simm.s32 $0x1  }
0x2: {  	[smem:$0x3F9A] =	sst lr;
	_ =	strace $0xD0000000  }
0x3: {  	_ = 	snop  }
0x4: {  	_ = 	snop  }
0x5: {  	_ = 	snop  }
0x6: {  	_ = 	snop  }
0x7: {  	_ = 	snop  }
__scs_overlays_trampoline_lowered:
0x8: {  	[smem:$0x3FA9] =	sst s0  }
0x9: {  	[smem:$0x3FAA] =	sst s1  }
0xa: {  	[smem:$0x3FAB] =	sst s2  }
0xb: {  	[smem:$0x3FAC] =	sst s3  }
0xc: {  	[smem:$0x3FAD] =	sst s4  }
0xd: {  	[smem:$0x3FAE] =	sst s5  }
0xe: {  	[smem:$0x3FAF] =	sst s6  }
0xf: {  	[smem:$0x3FB0] =	sst s7  }
0x10: {  	[smem:$0x3FB1] =	sst s8  }
0x11: {  	[smem:$0x3FB2] =	sst s9;
	s0 =	simm.s32 @!p0 $0x0  }
0x12: {  	s1 =	sld [smem:$0x3F98];
	s0 =	simm.s32 @p0 $0x1  }
0x13: {  	[smem:$0x3FB3] =	sst s0;
	s0 =	simm.s32 @!p1 $0x0  }
0x14: {  	s2 =	sld [smem:$0x3F97];
	s0 =	simm.s32 @p1 $0x1  }
0x15: {  	[smem:$0x3FB4] =	sst s0;
	s0 =	simm.s32 @!p2 $0x0  }
0x16: {  	s3 =	sld [smem:$0x3FDB];
	s0 =	simm.s32 @p2 $0x1  }
0x17: {  	s4 =	simm.s32 $0x1BF5;
	[smem:$0x3FB6] =	sst s0  }
0x18: {  	s0 =	sld [smem:$0x3F99];
	_ =	swait.ge [sflag:s4], $0x0  }
0x19: {  	s7 =	sld [smem:$0x3F9A]  }
0x1a: {  	s8 =	sadd.s32 $0xFFFFE003, lr  }
0x1b: {  	s9 =	sadd.s32 $0xFFFFFEF7, lr;
	s5 =	simm.s32 $0xFFFFFFFF;
	p2 =	slt.u32 s8, $0xFFFFF086  }
0x1c: {  	p1 =	slt.u32 s9, $0xF7A;
	s5 =	simm.s32 @!p2 $0x0  }
0x1d: {  	s5 =	simm.s32 @p1 $0x1;
	p0 =	seq.s32 s7, s2  }
0x1e: {  	s7 =	smul.u32 @!p0 $0xF7A, s2;
	p2 =	seq.s32 @!p0 s5, $0x0  }
0x1f: {  	s9 =	smul.u32 $0xF7A, s1;
	s8 =	simm.s32 @!p0 $0x1BF5;
	p2 =	por !p2, p0  }
0x20: {  	[sflag:s8] =	ssyncset.s32 @!p0 $0xFFFFF086;
	s6 =	sadd.s32 @!p0 s3, s7;
	s7 =	simm.s32 @!p0 $0x108  }
0x21: {  	s3 =	sadd.s32 s3, s9;
	s6 =	sadd.s32 @!p0 $0x88, s6;
	s7 =	simm.s32 @p2 $0x1082  }
0x22: {  	[simem:s7], [sflag:s8] =	dma.local @!p0 [hbm:s6], $0xF7A  }
0x23: {  	s9 =	sor.u32 $0xD0000000, s2;
	s6 =	simm.s32 $0x108;
	_ =	swait.ge @!p0 [sflag:s8], $0x0  }
0x24: {  	s3 =	sadd.s32 $0x88, s3;
	s6 =	simm.s32 @!p1 $0x1082;
	[sflag:s4] =	ssyncset.s32 $0xFFFFF086  }
0x25: {  	[simem:s6], [sflag:s4] =	dma.local [hbm:s3], $0xF7A  }
0x26: {  	[smem:$0x3F9A] =	sst s1;
	(tag) =	ssettag s2;
	_ =	strace s9  }
0x27: {  	s1 =	sld [smem:$0x3FAA]  }
0x28: {  	s2 =	sld [smem:$0x3FAB]  }
0x29: {  	s4 =	sld [smem:$0x3FAD]  }
0x2a: {  	p0 =	seq.s32 s5, $0x0;
	s5 =	sld [smem:$0x3FAE]  }
0x2b: {  	s6 =	sld [smem:$0x3FAF]  }
0x2c: {  	s7 =	sld [smem:$0x3FB0]  }
0x2d: {  	s3 =	simm.s32 $0x108;
	s8 =	sld [smem:$0x3FB1]  }
0x2e: {  	s3 =	simm.s32 @!p0 $0x1082;
	s9 =	sld [smem:$0x3FB2]  }
0x2f: {  	lr =	sadd.s32 s0, s3;
	s0 =	sld [smem:$0x3FA9]  }
0x30: {  	s3 =	sld [smem:$0x3FAC]  }
0x31: {  	[smem:$0x3FB5] =	sst s10  }
0x32: {  	s10 =	sld [smem:$0x3FB3];
	_ =	sdelay $0x3  }
0x33: {  	p0 =	seq.s32 s10, $0x1;
	s10 =	sld [smem:$0x3FB5];
	_ =	sdelay $0x3  }
0x34: {  	[smem:$0x3FB5] =	sst s10  }
0x35: {  	s10 =	sld [smem:$0x3FB4];
	_ =	sdelay $0x3  }
0x36: {  	p1 =	seq.s32 s10, $0x1;
	s10 =	sld [smem:$0x3FB5];
	_ =	sdelay $0x3  }
0x37: {  	[smem:$0x3FB5] =	sst s10  }
0x38: {  	s10 =	sld [smem:$0x3FB6]  }
0x39: {  	_ = 	snop;
	(pc) =	sbr.ind lr, $3  }
0x3a: {  	_ = 	snop  }
0x3b: {  	_ = 	snop  }
0x3c: {  	p2 =	seq.s32 s10, $0x1;
	s10 =	sld [smem:$0x3FB5]  }
0x3d: {  	_ =	shalt  }
0x3e: {  	_ =	shalt  }
0x3f: {  	_ =	shalt  }
0x40: {  	_ =	shalt  }
0x41: {  	_ =	shalt  }
0x42: {  	_ =	shalt  }
0x43: {  	_ =	shalt  }
0x44: {  	_ =	shalt  }
0x45: {  	_ =	shalt  }
0x46: {  	_ =	shalt  }
0x47: {  	_ =	shalt  }
0x48: {  	_ =	shalt  }
0x49: {  	_ =	shalt  }
0x4a: {  	_ =	shalt  }
0x4b: {  	_ =	shalt  }
0x4c: {  	_ =	shalt  }
0x4d: {  	_ =	shalt  }
0x4e: {  	_ =	shalt  }
0x4f: {  	_ =	shalt  }
0x50: {  	_ =	shalt  }
0x51: {  	_ =	shalt  }
0x52: {  	_ =	shalt  }
0x53: {  	_ =	shalt  }
0x54: {  	_ =	shalt  }
0x55: {  	_ =	shalt  }
0x56: {  	_ =	shalt  }
0x57: {  	_ =	shalt  }
0x58: {  	_ =	shalt  }
0x59: {  	_ =	shalt  }
0x5a: {  	_ =	shalt  }
0x5b: {  	_ =	shalt  }
0x5c: {  	_ =	shalt  }
0x5d: {  	_ =	shalt  }
0x5e: {  	_ =	shalt  }
0x5f: {  	_ =	shalt  }
0x60: {  	_ =	shalt  }
0x61: {  	_ =	shalt  }
0x62: {  	_ =	shalt  }
0x63: {  	_ =	shalt  }
0x64: {  	_ =	shalt  }
0x65: {  	_ =	shalt  }
0x66: {  	_ =	shalt  }
0x67: {  	_ =	shalt  }
0x68: {  	_ =	shalt  }
0x69: {  	_ =	shalt  }
0x6a: {  	_ =	shalt  }
0x6b: {  	_ =	shalt  }
0x6c: {  	_ =	shalt  }
0x6d: {  	_ =	shalt  }
0x6e: {  	_ =	shalt  }
0x6f: {  	_ =	shalt  }
0x70: {  	_ =	shalt  }
0x71: {  	_ =	shalt  }
0x72: {  	_ =	shalt  }
0x73: {  	_ =	shalt  }
0x74: {  	_ =	shalt  }
0x75: {  	_ =	shalt  }
0x76: {  	_ =	shalt  }
0x77: {  	_ =	shalt  }
0x78: {  	_ =	shalt  }
0x79: {  	_ =	shalt  }
0x7a: {  	_ =	shalt  }
0x7b: {  	_ =	shalt  }
0x7c: {  	_ =	shalt  }
0x7d: {  	_ =	shalt  }
0x7e: {  	_ =	shalt  }
0x7f: {  	_ =	shalt  }
0x80: {  	_ =	shalt  }
0x81: {  	_ =	shalt  }
0x82: {  	_ =	shalt  }
0x83: {  	_ =	shalt  }
0x84: {  	_ =	shalt  }
0x85: {  	_ =	shalt  }
0x86: {  	_ =	shalt  }
0x87: {  	_ =	shalt  }
.Lfunc_end0:
.L_simem_size_0:
called_computation.1_lowered:
.L_overlay_start_0:
0x88: {  	s2 =	sld [smem:$0x3FD9]  }
0x89: {  	s3 =	sld [smem:$0x3FFE];
	_ =	sdelay $0x1  }
0x8a: {  	s1 =	srdreg.scid  }
0x8b: {  	s0 =	sand.u32 $0x1, s1  }
0x8c: {  	s14 =	sshll.u32 s0, $0xA;
	s2 =	sadd.s32 s3, s2  }
0x8d: {  	s2 =	sadd.s32 s2, s14  }
0x8e: {  	[smem:$0x3FC1] =	sst s2  }
0x8f: {  	_ = 	snop  }
0x90: {  	s2 =	sld [smem:$0x3FD0];
	_ =	sdelay $0x2  }
0x91: {  	s15 =	simm.s32 $0xA;
	s4 =	simm.s32 $0x10  }
0x92: {  	[smem:s4], [sflag:s15] =	dma.local [hbm:s2], $0x1  }
0x93: {  	_ =	swait.eq [sflag:s15], $0x1  }
0x94: {  	[sflag:s15] =	ssyncset.done $0x0  }
0x95: {  	[sflag:s15] =	ssyncadd.s32 $0xFFFFFFFF  }
0x96: {  	s16 =	sld [smem:$0x11];
	(tm) =	ssettm $0x1  }
0x97: {  	s17 =	sld [smem:$0x3FFB];
	_ =	sdelay $0x3  }
0x98: {  	_ =	strace s17  }
0x99: {  	s3 =	sld [smem:$0x3FFC];
	_ =	sdelay $0x3  }
0x9a: {  	_ =	strace s3  }
0x9b: {  	s3 =	sld [smem:$0x3FFD];
	_ =	sdelay $0x3  }
0x9c: {  	_ =	strace s3  }
0x9d: {  	_ =	strace $0x8FFFFFFF  }
0x9e: {  	s18 =	sld [smem:$0x3FDB];
	_ =	sdelay $0x1  }
0x9f: {  	s19 =	simm.s32 $_scs_section_size  }
0xa0: {  	s5 =	simm.s32 $_size__tile_overlayer_lowered;
	s6 =	simm.s32 $_tile_overlayer_lowered  }
0xa1: {  	s22 =	simm.s32 $0x1BFF;
	s21 =	sshll.u32 s6, $0x1;
	s3 =	sadd.s32 s19, s18  }
0xa2: {  	s7 =	simm.s32 $0x0;
	s20 =	sshll.u32 s5, $0x1;
	s5 =	sadd.s32 s21, s3  }
0xa3: {  	[timem:s7], [sflag:s22] =	dma.local [hbm:s5], s20  }
0xa4: {  	_ =	swait.ge [sflag:s22], s20  }
0xa5: {  	s4 =	ssub.s32 $0x0, s20;
	[sflag:s22] =	ssyncset.done $0x0  }
0xa6: {  	[sflag:s22] =	ssyncadd.s32 s4;
	_ =	sdelay $0x1  }
0xa7: {  	s23 =	simm.s32 $0x1B8B  }
0xa8: {  	_ =	swait.ge [sflag:s23], $0x1  }
0xa9: {  	[sflag:s23] =	ssyncset.done $0x0  }
0xaa: {  	s25 =	simm.s32 $0x1B8E;
	s24 =	sld [smem:$0x3FFE];
	[sflag:s23] =	ssyncadd.s32 $0xFFFFFFFF  }
0xab: {  	s26 =	simm.s32 $execute0_lowered;
	[smem:$0x3FD2] =	sst s25  }
0xac: {  	s5 =	sshll.u32 s26, $0x1;
	_ =	strace $0x80000046;
	[dreg:$0x1] =	wrdreg $0xFFFFFFFF  }
0xad: {  	s28 =	simm.s32 $_size_execute0_lowered;
	s3 =	sadd.s32 s3, s5;
	[dreg:$0x0] =	wrdreg $0x0  }
0xae: {  	s5 =	sshll.u32 s28, $0x1;
	[dreg:$0x2] =	wrdreg s3  }
0xaf: {  	[dreg:$0x3] =	wrdreg s5  }
0xb0: {  	[dreg:$0x4] =	wrdreg $0xC0  }
0xb1: {  	_ =	task [dreg:s7], $0x5FFFF  }
0xb2: {  	[dreg:$0x1] =	wrdreg $0xFFFFFFFF  }
0xb3: {  	[dreg:$0x0] =	wrdreg $0x60  }
0xb4: {  	[dreg:$0x2] =	wrdreg s16  }
0xb5: {  	[dreg:$0x3] =	wrdreg s24  }
0xb6: {  	[dreg:$0x4] =	wrdreg $0x9  }
0xb7: {  	_ =	task.clear_ibuf [dreg:s7], $0x5FFFF;
	_ =	strace $0x90000046  }
0xb8: {  	s29 =	simm.s32 $0x9;
	_ =	strace $0x80000048  }
0xb9: {  	_ =	swait.ge [sflag:s29], $0x1  }
0xba: {  	[sflag:s29] =	ssyncadd.s32 $0xFFFFFFFF  }
0xbb: {  	_ =	strace $0x90000048  }
0xbc: {  	_ =	sfence  }
0xbd: {  	s30 =	sld [smem:$0x0];
	_ =	sdelay $0x2  }
0xbe: {  	s31 =	sshll.u32 s1, $0xD;
	s1 =	sshrl.u32 s1, $0x2  }
0xbf: {  	s3 =	sand.u32 $0x4000, s31;
	s1 =	sadd.s32 s1, s30  }
0xc0: {  	s0 =	sor.u32 s3, s0;
	s1 =	sshll.u32 s1, $0x11  }
0xc1: {  	s0 =	sor.u32 s1, s0  }
0xc2: {  	s0 =	sadd.s32 $0x8F2B, s0  }
0xc3: {  	[sflag:s0] =	ssyncadd.remote.s32 $0x1  }
0xc4: {  	_ =	sfence.sel $0xFFFF  }
0xc5: {  	[dreg:$0x0] =	wrdreg $0xFFFFFFFF;
	(pc) =	sbr.abs _section_cstart, $3  }
0xc6: {  	[dreg:$0x1] =	wrdreg $0xFFFFFFFF  }
0xc7: {  	_ =	task.clear_ibuf [dreg:s7], $0x2FFFF;
	_ =	strace $0x9FFFFFFF  }
0xc8: {  	(tm) =	ssettm $0x7FFFFFFF  }
0xc9: {  	_ =	shalt  }
tec
execute0_lowered:
.L_overlay_start_1:
0x0: {  	(tag) =	ssettag $0x1  }
0x1: {  	s2 =	rddreg [dreg:$0x0]  }
0x2: {  	s0 =	rddreg [dreg:$0x1];
	s3 =	simm.s32 $0x0;
	s5 =	stileid.u32  }
0x3: {  	s1 =	srdreg.scid;
	s18 =	simm.s32 $0x1000;
	s20 =	simm.s32 $0x100  }
0x4: {  	s21 =	simm.s32 $0x1800;
	s22 =	simm.s32 $0x180;
	s23 =	simm.s32 $0x2000  }
0x5: {  	s24 =	simm.s32 $0x200;
	s25 =	simm.s32 $0x2800;
	s26 =	simm.s32 $0x280  }
0x6: {  	s7 =	simm.s32 $0x80;
	s31 =	simm.s32 $0x3000;
	s8 =	simm.s32 $0x800  }
0x7: {  	s9 =	simm.s32 $0x300;
	s10 =	simm.s32 $0x3800;
	[smem:$0x7FF] =	sst s3  }
0x8: {  	s11 =	simm.s32 $0x380;
	_ =	strace $0x80000047;
	[dreg:$0x4] =	wrdreg s18  }
0x9: {  	s12 =	simm.s32 $0x4000;
	s13 =	simm.s32 $0x400;
	[dreg:$0x5] =	wrdreg s20  }
0xa: {  	s14 =	simm.s32 $0x4800;
	s15 =	simm.s32 $0x480;
	[dreg:$0x6] =	wrdreg s21  }
0xb: {  	s16 =	simm.s32 $0x5000;
	s28 =	simm.s32 $0x780;
	[dreg:$0x7] =	wrdreg s22  }
0xc: {  	s29 =	simm.s32 $0x8000;
	s30 =	simm.s32 $0x1;
	[dreg:$0x8] =	wrdreg s23  }
0xd: {  	s1 =	sand.u32 $0x1, s1;
	s4 =	sshll.u32 s5, $0xE;
	[dreg:$0x9] =	wrdreg s24  }
0xe: {  	s5 =	sshll.u32 s5, $0x12;
	s4 =	sadd.s32 s4, s0;
	[dreg:$0xa] =	wrdreg s25  }
0xf: {  	s6 =	sshll.u32 s1, $0xD;
	s0 =	sadd.s32 s5, s0;
	[dreg:$0xb] =	wrdreg s26  }
0x10: {  	s17 =	ssub.s32 $0x2, s1;
	s1 =	sshll.u32 s1, $0x11;
	[dreg:$0xc] =	wrdreg s31  }
0x11: {  	s18 =	simm.s32 $0x5800;
	s20 =	simm.s32 $0x6000;
	s21 =	simm.s32 $0x600  }
0x12: {  	s22 =	simm.s32 $0x6800;
	s23 =	simm.s32 $0x680;
	s24 =	simm.s32 $0x7000  }
0x13: {  	s25 =	simm.s32 $0x700;
	s26 =	simm.s32 $0x7800;
	s4 =	sadd.s32 s6, s4  }
0x14: {  	s19 =	sshrl.u32 s17, $0x1;
	s0 =	sadd.s32 s1, s0;
	s6 =	simm.s32 $0x2  }
0x15: {  	[dreg:$0x3] =	wrdreg s4;
	s5 =	ssub.s32 s17, s19;
	s0 =	sadd.s32 $0x40000, s0  }
0x16: {  	s1 =	simm.s32 $0x0;
	s5 =	smax.u32 s5, $0x1;
	[dreg:$0xe] =	wrdreg s0  }
0x17: {  	s17 =	simm.s32 $0x500;
	s19 =	simm.s32 $0x580;
	[dreg:$0xd] =	wrdreg s5  }
.LBB2_1:
0x18: {  	s0 =	rddreg [dreg:$0x3]  }
0x19: {  	[dreg:$0xf] =	wrdreg s1;
	s0 =	sadd.s32 $0x0, s0  }
0x1a: {  	[tilespmem:s3], [sflag:$0x2] =	stream.linear.gather [hbm4b:s0+s3], $0x800, $0x38;
	[tilespmem:$0x8800] =	vst v63  }
0x1b: {  	_ =	swait.ge [sflag:s6], $0x800  }
0x1c: {  	s0 =	rddreg [dreg:$0x5]  }
0x1d: {  	[sflag:s6] =	ssyncset.done $0x0;
	s31 =	rddreg [dreg:$0x4]  }
0x1e: {  	s5 =	rddreg [dreg:$0x6];
	[sflag:s6] =	ssyncadd.s32 $0xFFFFF800  }
0x1f: {  	[tilespmem:s8], [sflag:$0x1] =	stream.indirect.gather [hbm4b:s2+s7], $0x10, s3, s7, $0xb8;
	[tilespmem:$0x8800] =	vst v63  }
0x20: {  	s4 =	rddreg [dreg:$0x8]  }
0x21: {  	[tilespmem:s31], [sflag:$0x1] =	stream.indirect.gather [hbm4b:s2+s7], $0x10, s7, s7, $0xb8;
	[tilespmem:$0x8800] =	vst v63  }
0x22: {  	s31 =	rddreg [dreg:$0x7]  }
0x23: {  	[tilespmem:s5], [sflag:$0x1] =	stream.indirect.gather [hbm4b:s2+s7], $0x10, s0, s7, $0xb8;
	[tilespmem:$0x8800] =	vst v63  }
0x24: {  	s0 =	rddreg [dreg:$0xa]  }
0x25: {  	s5 =	rddreg [dreg:$0x9]  }
0x26: {  	[tilespmem:s4], [sflag:$0x1] =	stream.indirect.gather [hbm4b:s2+s7], $0x10, s31, s7, $0xb8;
	[tilespmem:$0x8800] =	vst v63  }
0x27: {  	s4 =	rddreg [dreg:$0xc]  }
0x28: {  	[tilespmem:s0], [sflag:$0x1] =	stream.indirect.gather [hbm4b:s2+s7], $0x10, s5, s7, $0xb8;
	[tilespmem:$0x8800] =	vst v63  }
0x29: {  	s31 =	rddreg [dreg:$0xb]  }
0x2a: {  	[tilespmem:s4], [sflag:$0x1] =	stream.indirect.gather [hbm4b:s2+s7], $0x10, s31, s7, $0xb8;
	[tilespmem:$0x8800] =	vst v63  }
0x2b: {  	_ = 	snop  }
0x2c: {  	[tilespmem:s10], [sflag:$0x1] =	stream.indirect.gather [hbm4b:s2+s7], $0x10, s9, s7, $0xb8;
	[tilespmem:$0x8800] =	vst v63  }
0x2d: {  	_ = 	snop  }
0x2e: {  	[tilespmem:s12], [sflag:$0x1] =	stream.indirect.gather [hbm4b:s2+s7], $0x10, s11, s7, $0xb8;
	[tilespmem:$0x8800] =	vst v63  }
0x2f: {  	_ = 	snop  }
0x30: {  	[tilespmem:s14], [sflag:$0x1] =	stream.indirect.gather [hbm4b:s2+s7], $0x10, s13, s7, $0xb8;
	[tilespmem:$0x8800] =	vst v63  }
0x31: {  	_ = 	snop  }
0x32: {  	[tilespmem:s16], [sflag:$0x1] =	stream.indirect.gather [hbm4b:s2+s7], $0x10, s15, s7, $0xb8;
	[tilespmem:$0x8800] =	vst v63  }
0x33: {  	_ = 	snop  }
0x34: {  	[tilespmem:s18], [sflag:$0x1] =	stream.indirect.gather [hbm4b:s2+s7], $0x10, s17, s7, $0xb8;
	[tilespmem:$0x8800] =	vst v63  }
0x35: {  	_ = 	snop  }
0x36: {  	[tilespmem:s20], [sflag:$0x1] =	stream.indirect.gather [hbm4b:s2+s7], $0x10, s19, s7, $0xb8;
	[tilespmem:$0x8800] =	vst v63  }
0x37: {  	_ = 	snop  }
0x38: {  	[tilespmem:s22], [sflag:$0x1] =	stream.indirect.gather [hbm4b:s2+s7], $0x10, s21, s7, $0xb8;
	[tilespmem:$0x8800] =	vst v63  }
0x39: {  	_ = 	snop  }
0x3a: {  	[tilespmem:s24], [sflag:$0x1] =	stream.indirect.gather [hbm4b:s2+s7], $0x10, s23, s7, $0xb8;
	[tilespmem:$0x8800] =	vst v63  }
0x3b: {  	_ = 	snop  }
0x3c: {  	[tilespmem:s26], [sflag:$0x1] =	stream.indirect.gather [hbm4b:s2+s7], $0x10, s25, s7, $0xb8;
	[tilespmem:$0x8800] =	vst v63  }
0x3d: {  	_ = 	snop  }
0x3e: {  	[tilespmem:s29], [sflag:$0x1] =	stream.indirect.gather [hbm4b:s2+s7], $0x10, s28, s7, $0xb8;
	[tilespmem:$0x8800] =	vst v63  }
0x3f: {  	_ =	swait.ge [sflag:s30], $0x800  }
0x40: {  	[sflag:s30] =	ssyncset.done $0x0  }
0x41: {  	[sflag:s30] =	ssyncadd.s32 $0xFFFFF800  }
0x42: {  	_ =	swait.ge [sflag:s30], $0x800  }
0x43: {  	[sflag:s30] =	ssyncset.done $0x0  }
0x44: {  	[sflag:s30] =	ssyncadd.s32 $0xFFFFF800  }
0x45: {  	_ =	swait.ge [sflag:s30], $0x800  }
0x46: {  	[sflag:s30] =	ssyncset.done $0x0  }
0x47: {  	[sflag:s30] =	ssyncadd.s32 $0xFFFFF800  }
0x48: {  	_ =	swait.ge [sflag:s30], $0x800  }
0x49: {  	[sflag:s30] =	ssyncset.done $0x0  }
0x4a: {  	[sflag:s30] =	ssyncadd.s32 $0xFFFFF800  }
0x4b: {  	_ =	swait.ge [sflag:s30], $0x800  }
0x4c: {  	[sflag:s30] =	ssyncset.done $0x0  }
0x4d: {  	[sflag:s30] =	ssyncadd.s32 $0xFFFFF800  }
0x4e: {  	_ =	swait.ge [sflag:s30], $0x800  }
0x4f: {  	[sflag:s30] =	ssyncset.done $0x0  }
0x50: {  	[sflag:s30] =	ssyncadd.s32 $0xFFFFF800  }
0x51: {  	_ =	swait.ge [sflag:s30], $0x800  }
0x52: {  	[sflag:s30] =	ssyncset.done $0x0  }
0x53: {  	[sflag:s30] =	ssyncadd.s32 $0xFFFFF800  }
0x54: {  	_ =	swait.ge [sflag:s30], $0x800  }
0x55: {  	[sflag:s30] =	ssyncset.done $0x0  }
0x56: {  	[sflag:s30] =	ssyncadd.s32 $0xFFFFF800  }
0x57: {  	_ =	swait.ge [sflag:s30], $0x800  }
0x58: {  	[sflag:s30] =	ssyncset.done $0x0  }
0x59: {  	[sflag:s30] =	ssyncadd.s32 $0xFFFFF800  }
0x5a: {  	_ =	swait.ge [sflag:s30], $0x800  }
0x5b: {  	[sflag:s30] =	ssyncset.done $0x0  }
0x5c: {  	[sflag:s30] =	ssyncadd.s32 $0xFFFFF800  }
0x5d: {  	_ =	swait.ge [sflag:s30], $0x800  }
0x5e: {  	[sflag:s30] =	ssyncset.done $0x0  }
0x5f: {  	[sflag:s30] =	ssyncadd.s32 $0xFFFFF800  }
0x60: {  	_ =	swait.ge [sflag:s30], $0x800  }
0x61: {  	[sflag:s30] =	ssyncset.done $0x0  }
0x62: {  	[sflag:s30] =	ssyncadd.s32 $0xFFFFF800  }
0x63: {  	_ =	swait.ge [sflag:s30], $0x800  }
0x64: {  	[sflag:s30] =	ssyncset.done $0x0  }
0x65: {  	[sflag:s30] =	ssyncadd.s32 $0xFFFFF800  }
0x66: {  	_ =	swait.ge [sflag:s30], $0x800  }
0x67: {  	[sflag:s30] =	ssyncset.done $0x0  }
0x68: {  	[sflag:s30] =	ssyncadd.s32 $0xFFFFF800  }
0x69: {  	_ =	swait.ge [sflag:s30], $0x800  }
0x6a: {  	[sflag:s30] =	ssyncset.done $0x0  }
0x6b: {  	[sflag:s30] =	ssyncadd.s32 $0xFFFFF800  }
0x6c: {  	_ =	swait.ge [sflag:s30], $0x800  }
0x6d: {  	[sflag:s30] =	ssyncset.done $0x0;
	s5 =	rddreg [dreg:$0xe]  }
0x6e: {  	s0 =	simm.s32 $0x100;
	[sflag:s30] =	ssyncadd.s32 $0xFFFFF800;
	s1 =	sadd.s32 $0x1000, s5  }
.LBB2_2:
0x6f: {  	[hbm4b:s5+s3] =	stream.linear.scatter [tilespmem:s8], [sflag:$0x2], $0x8000, $0x38;
	[tilespmem:$0x8800] =	vst v63  }
0x70: {  	_ =	swait.ge [sflag:s6], $0x8000  }
0x71: {  	s4 =	smov.u32 s0;
	s31 =	rddreg [dreg:$0x3];
	[sflag:s6] =	ssyncset.done $0x0  }
0x72: {  	[sflag:s6] =	ssyncadd.s32 $0xFFFF8000;
	s4 =	sadd.s32 s4, s31  }
0x73: {  	[tilespmem:s3], [sflag:$0x2] =	stream.linear.gather [hbm4b:s4+s3], $0x800, $0x38;
	[tilespmem:$0x8800] =	vst v63  }
0x74: {  	_ =	swait.ge [sflag:s6], $0x800  }
0x75: {  	s4 =	rddreg [dreg:$0xc]  }
0x76: {  	s31 =	rddreg [dreg:$0xa]  }
0x77: {  	[sflag:s6] =	ssyncset.done $0x0;
	s9 =	rddreg [dreg:$0x5]  }
0x78: {  	s10 =	rddreg [dreg:$0x4];
	[sflag:s6] =	ssyncadd.s32 $0xFFFFF800  }
0x79: {  	[tilespmem:s8], [sflag:$0x1] =	stream.indirect.gather [hbm4b:s2+s7], $0x10, s3, s7, $0xb8;
	[tilespmem:$0x8800] =	vst v63  }
0x7a: {  	s11 =	rddreg [dreg:$0x6]  }
0x7b: {  	[tilespmem:s10], [sflag:$0x1] =	stream.indirect.gather [hbm4b:s2+s7], $0x10, s7, s7, $0xb8;
	[tilespmem:$0x8800] =	vst v63  }
0x7c: {  	s12 =	rddreg [dreg:$0x8]  }
0x7d: {  	[tilespmem:s11], [sflag:$0x1] =	stream.indirect.gather [hbm4b:s2+s7], $0x10, s9, s7, $0xb8;
	[tilespmem:$0x8800] =	vst v63  }
0x7e: {  	s10 =	rddreg [dreg:$0x7]  }
0x7f: {  	[tilespmem:s12], [sflag:$0x1] =	stream.indirect.gather [hbm4b:s2+s7], $0x10, s10, s7, $0xb8;
	[tilespmem:$0x8800] =	vst v63  }
0x80: {  	s9 =	rddreg [dreg:$0x9]  }
0x81: {  	[tilespmem:s31], [sflag:$0x1] =	stream.indirect.gather [hbm4b:s2+s7], $0x10, s9, s7, $0xb8;
	[tilespmem:$0x8800] =	vst v63  }
0x82: {  	s10 =	rddreg [dreg:$0xb]  }
0x83: {  	[tilespmem:s4], [sflag:$0x1] =	stream.indirect.gather [hbm4b:s2+s7], $0x10, s10, s7, $0xb8;
	[tilespmem:$0x8800] =	vst v63  }
0x84: {  	s9 =	simm.s32 $0x300;
	s10 =	simm.s32 $0x3800  }
0x85: {  	[tilespmem:s10], [sflag:$0x1] =	stream.indirect.gather [hbm4b:s2+s7], $0x10, s9, s7, $0xb8;
	[tilespmem:$0x8800] =	vst v63  }
0x86: {  	s11 =	simm.s32 $0x380;
	s12 =	simm.s32 $0x4000  }
0x87: {  	[tilespmem:s12], [sflag:$0x1] =	stream.indirect.gather [hbm4b:s2+s7], $0x10, s11, s7, $0xb8;
	[tilespmem:$0x8800] =	vst v63  }
0x88: {  	_ = 	snop  }
0x89: {  	[tilespmem:s14], [sflag:$0x1] =	stream.indirect.gather [hbm4b:s2+s7], $0x10, s13, s7, $0xb8;
	[tilespmem:$0x8800] =	vst v63  }
0x8a: {  	_ = 	snop  }
0x8b: {  	[tilespmem:s16], [sflag:$0x1] =	stream.indirect.gather [hbm4b:s2+s7], $0x10, s15, s7, $0xb8;
	[tilespmem:$0x8800] =	vst v63  }
0x8c: {  	_ = 	snop  }
0x8d: {  	[tilespmem:s18], [sflag:$0x1] =	stream.indirect.gather [hbm4b:s2+s7], $0x10, s17, s7, $0xb8;
	[tilespmem:$0x8800] =	vst v63  }
0x8e: {  	_ = 	snop  }
0x8f: {  	[tilespmem:s20], [sflag:$0x1] =	stream.indirect.gather [hbm4b:s2+s7], $0x10, s19, s7, $0xb8;
	[tilespmem:$0x8800] =	vst v63  }
0x90: {  	_ = 	snop  }
0x91: {  	[tilespmem:s22], [sflag:$0x1] =	stream.indirect.gather [hbm4b:s2+s7], $0x10, s21, s7, $0xb8;
	[tilespmem:$0x8800] =	vst v63  }
0x92: {  	_ = 	snop  }
0x93: {  	[tilespmem:s24], [sflag:$0x1] =	stream.indirect.gather [hbm4b:s2+s7], $0x10, s23, s7, $0xb8;
	[tilespmem:$0x8800] =	vst v63  }
0x94: {  	_ = 	snop  }
0x95: {  	[tilespmem:s26], [sflag:$0x1] =	stream.indirect.gather [hbm4b:s2+s7], $0x10, s25, s7, $0xb8;
	[tilespmem:$0x8800] =	vst v63  }
0x96: {  	_ = 	snop  }
0x97: {  	[tilespmem:s29], [sflag:$0x1] =	stream.indirect.gather [hbm4b:s2+s7], $0x10, s28, s7, $0xb8;
	[tilespmem:$0x8800] =	vst v63  }
0x98: {  	_ =	swait.ge [sflag:s30], $0x800  }
0x99: {  	[sflag:s30] =	ssyncset.done $0x0  }
0x9a: {  	[sflag:s30] =	ssyncadd.s32 $0xFFFFF800  }
0x9b: {  	_ =	swait.ge [sflag:s30], $0x800  }
0x9c: {  	[sflag:s30] =	ssyncset.done $0x0  }
0x9d: {  	[sflag:s30] =	ssyncadd.s32 $0xFFFFF800  }
0x9e: {  	_ =	swait.ge [sflag:s30], $0x800  }
0x9f: {  	[sflag:s30] =	ssyncset.done $0x0  }
0xa0: {  	[sflag:s30] =	ssyncadd.s32 $0xFFFFF800  }
0xa1: {  	_ =	swait.ge [sflag:s30], $0x800  }
0xa2: {  	[sflag:s30] =	ssyncset.done $0x0  }
0xa3: {  	[sflag:s30] =	ssyncadd.s32 $0xFFFFF800  }
0xa4: {  	_ =	swait.ge [sflag:s30], $0x800  }
0xa5: {  	[sflag:s30] =	ssyncset.done $0x0  }
0xa6: {  	[sflag:s30] =	ssyncadd.s32 $0xFFFFF800  }
0xa7: {  	_ =	swait.ge [sflag:s30], $0x800  }
0xa8: {  	[sflag:s30] =	ssyncset.done $0x0  }
0xa9: {  	[sflag:s30] =	ssyncadd.s32 $0xFFFFF800  }
0xaa: {  	_ =	swait.ge [sflag:s30], $0x800  }
0xab: {  	[sflag:s30] =	ssyncset.done $0x0  }
0xac: {  	[sflag:s30] =	ssyncadd.s32 $0xFFFFF800  }
0xad: {  	_ =	swait.ge [sflag:s30], $0x800  }
0xae: {  	[sflag:s30] =	ssyncset.done $0x0  }
0xaf: {  	[sflag:s30] =	ssyncadd.s32 $0xFFFFF800  }
0xb0: {  	_ =	swait.ge [sflag:s30], $0x800  }
0xb1: {  	[sflag:s30] =	ssyncset.done $0x0  }
0xb2: {  	[sflag:s30] =	ssyncadd.s32 $0xFFFFF800  }
0xb3: {  	_ =	swait.ge [sflag:s30], $0x800  }
0xb4: {  	[sflag:s30] =	ssyncset.done $0x0  }
0xb5: {  	[sflag:s30] =	ssyncadd.s32 $0xFFFFF800  }
0xb6: {  	_ =	swait.ge [sflag:s30], $0x800  }
0xb7: {  	[sflag:s30] =	ssyncset.done $0x0  }
0xb8: {  	[sflag:s30] =	ssyncadd.s32 $0xFFFFF800  }
0xb9: {  	_ =	swait.ge [sflag:s30], $0x800  }
0xba: {  	[sflag:s30] =	ssyncset.done $0x0  }
0xbb: {  	[sflag:s30] =	ssyncadd.s32 $0xFFFFF800  }
0xbc: {  	_ =	swait.ge [sflag:s30], $0x800  }
0xbd: {  	[sflag:s30] =	ssyncset.done $0x0  }
0xbe: {  	[sflag:s30] =	ssyncadd.s32 $0xFFFFF800  }
0xbf: {  	_ =	swait.ge [sflag:s30], $0x800  }
0xc0: {  	[sflag:s30] =	ssyncset.done $0x0  }
0xc1: {  	[sflag:s30] =	ssyncadd.s32 $0xFFFFF800  }
0xc2: {  	p0 =	sne.s32 s0, $0x1F00;
	_ =	swait.ge [sflag:s30], $0x800  }
.Ltmp0:
0xc3: {  	[sflag:s30] =	ssyncset.done $0x0;
	(pc) =	sbr.rel @p0 .LBB2_2-.Ltmp0, $4  }
0xc4: {  	[sflag:s30] =	ssyncadd.s32 $0xFFFFF800  }
0xc5: {  	_ =	swait.ge [sflag:s30], $0x800  }
0xc6: {  	s5 =	smov.u32 s1;
	[sflag:s30] =	ssyncset.done $0x0  }
0xc7: {  	s0 =	sadd.s32 $0x100, s0;
	s1 =	sadd.s32 $0x1000, s1;
	[sflag:s30] =	ssyncadd.s32 $0xFFFFF800  }
0xc8: {  	[hbm4b:s5+s3] =	stream.linear.scatter [tilespmem:s8], [sflag:$0x2], $0x8000, $0x38;
	[tilespmem:$0x8800] =	vst v63  }
0xc9: {  	_ =	swait.ge [sflag:s6], $0x8000  }
0xca: {  	s1 =	rddreg [dreg:$0xf]  }
0xcb: {  	s0 =	rddreg [dreg:$0xd];
	s1 =	sadd.s32 $0x1, s1  }
0xcc: {  	p0 =	sne.s32 s1, s0  }
.Ltmp1:
0xcd: {  	_ = 	snop;
	(pc) =	sbr.rel @p0 .LBB2_1-.Ltmp1, $3  }
0xce: {  	_ =	sdelay $0x1  }
0xcf: {  	[sflag:s6] =	ssyncset.done $0x0  }
0xd0: {  	[sflag:s6] =	ssyncadd.s32 $0xFFFF8000  }
0xd1: {  	_ =	sfence.sel $0x180000  }
0xd2: {  	[bflag:$0x0] =	sbarrier.arrive $0xFFFF  }
0xd3: {  	_ =	strace $0x90000047  }
0xd4: {  	s0 =	stileid.u32;
	[bflag:$0x2] =	sbarrier.arrive $0xFFFF  }
0xd5: {  	p0 =	sne.s32 s0, $0x0;
	s0 =	rddreg [dreg:$0x2]  }
0xd6: {  	s0 =	sadd.s32 @!p0 $0x100000, s0  }
0xd7: {  	[sflag:s0] =	ssyncadd.tile.s32 @!p0 $0x1;
	_ =	shalt  }
.Lfunc_end2:
_tile_overlayer_lowered:
.L_overlay_start_2:
0xd8: {  	(tag) =	ssettag $0x2  }
0xd9: {  	s0 =	rddreg [dreg:$0x0];
	s2 =	stileid.u32  }
0xda: {  	s1 =	rddreg [dreg:$0x1];
	p0 =	sne.s32 s2, $0x0  }
0xdb: {  	s3 =	rddreg [dreg:$0x2];
	[bflag:$0x3] =	sbarrier.arrive $0xFFFF;
	s2 =	simm.s32 @!p0 $0x1C02  }
0xdc: {  	[timem:s3], [sflag:s2] =	dma.local @!p0 [hbm:s0], s1  }
0xdd: {  	s0 =	simm.s32 @!p0 $0x2  }
0xde: {  	_ =	swait.ge @!p0 [sflag:s0], s1  }
0xdf: {  	s1 =	ssub.s32 @!p0 $0x0, s1;
	[sflag:s0] =	ssyncset.done @!p0 $0x0  }
0xe0: {  	[sflag:s0] =	ssyncadd.s32 @!p0 s1  }
0xe1: {  	[bflag:$0x3] =	sbarrier.arrive $0xFFFF  }
0xe2: {  	_ =	shalt  }

// kernel: sparse-core-data-format-call.cloned.1.call-start
scs
called_computation_lowered:
.L_overlay_start_0:
0x0: {  	s2 =	sld [smem:$0x3FD9]  }
0x1: {  	s3 =	sld [smem:$0x3FFE];
	_ =	sdelay $0x1  }
0x2: {  	s1 =	srdreg.scid  }
0x3: {  	s0 =	sand.u32 $0x1, s1  }
0x4: {  	s15 =	sshll.u32 s0, $0xA;
	s2 =	sadd.s32 s3, s2  }
0x5: {  	s2 =	sadd.s32 s2, s15  }
0x6: {  	[smem:$0x3FC1] =	sst s2  }
0x7: {  	_ = 	snop  }
0x8: {  	s2 =	sld [smem:$0x3FD0];
	_ =	sdelay $0x2  }
0x9: {  	s16 =	simm.s32 $0xA;
	s4 =	simm.s32 $0x10  }
0xa: {  	[smem:s4], [sflag:s16] =	dma.local [hbm:s2], $0x1  }
0xb: {  	_ =	swait.eq [sflag:s16], $0x1  }
0xc: {  	[sflag:s16] =	ssyncset.done $0x0  }
0xd: {  	[sflag:s16] =	ssyncadd.s32 $0xFFFFFFFF  }
0xe: {  	s17 =	sld [smem:$0x11];
	(tm) =	ssettm $0x1  }
0xf: {  	s18 =	sld [smem:$0x3FFB];
	_ =	sdelay $0x3  }
0x10: {  	_ =	strace s18  }
0x11: {  	s3 =	sld [smem:$0x3FFC];
	_ =	sdelay $0x3  }
0x12: {  	_ =	strace s3  }
0x13: {  	s3 =	sld [smem:$0x3FFD];
	_ =	sdelay $0x3  }
0x14: {  	_ =	strace s3  }
0x15: {  	_ =	strace $0x8FFFFFFF  }
0x16: {  	s19 =	sld [smem:$0x3FDB];
	_ =	sdelay $0x1  }
0x17: {  	s20 =	simm.s32 $_scs_section_size  }
0x18: {  	s5 =	simm.s32 $_size__tile_overlayer_lowered;
	s6 =	simm.s32 $_tile_overlayer_lowered  }
0x19: {  	s23 =	simm.s32 $0x1BFF;
	s22 =	sshll.u32 s6, $0x1;
	s3 =	sadd.s32 s20, s19  }
0x1a: {  	s7 =	simm.s32 $0x0;
	s21 =	sshll.u32 s5, $0x1;
	s5 =	sadd.s32 s22, s3  }
0x1b: {  	[timem:s7], [sflag:s23] =	dma.local [hbm:s5], s21  }
0x1c: {  	_ =	swait.ge [sflag:s23], s21  }
0x1d: {  	s4 =	ssub.s32 $0x0, s21;
	[sflag:s23] =	ssyncset.done $0x0  }
0x1e: {  	[sflag:s23] =	ssyncadd.s32 s4;
	_ =	sdelay $0x1  }
0x1f: {  	s24 =	simm.s32 $0x1B8B  }
0x20: {  	_ =	swait.ge [sflag:s24], $0x1  }
0x21: {  	[sflag:s24] =	ssyncset.done $0x0  }
0x22: {  	s26 =	simm.s32 $0x1B8E;
	s25 =	sld [smem:$0x3FFE];
	[sflag:s24] =	ssyncadd.s32 $0xFFFFFFFF  }
0x23: {  	s27 =	simm.s32 $execute0_lowered;
	[smem:$0x3FD2] =	sst s26  }
0x24: {  	s5 =	sshll.u32 s27, $0x1;
	_ =	strace $0x80000049;
	[dreg:$0x1] =	wrdreg $0xFFFFFFFF  }
0x25: {  	s28 =	simm.s32 $_size_execute0_lowered;
	s3 =	sadd.s32 s3, s5;
	[dreg:$0x0] =	wrdreg $0x0  }
0x26: {  	s5 =	sshll.u32 s28, $0x1;
	[dreg:$0x2] =	wrdreg s3  }
0x27: {  	[dreg:$0x3] =	wrdreg s5  }
0x28: {  	[dreg:$0x4] =	wrdreg $0xC0  }
0x29: {  	_ =	task [dreg:s7], $0x5FFFF  }
0x2a: {  	[dreg:$0x1] =	wrdreg $0xFFFFFFFF  }
0x2b: {  	[dreg:$0x0] =	wrdreg $0x60  }
0x2c: {  	[dreg:$0x2] =	wrdreg s25  }
0x2d: {  	[dreg:$0x3] =	wrdreg s17  }
0x2e: {  	[dreg:$0x4] =	wrdreg $0x9  }
0x2f: {  	_ =	task.clear_ibuf [dreg:s7], $0x5FFFF;
	_ =	strace $0x90000049  }
0x30: {  	s29 =	simm.s32 $0x9;
	_ =	strace $0x8000004B  }
0x31: {  	_ =	swait.ge [sflag:s29], $0x1  }
0x32: {  	[sflag:s29] =	ssyncadd.s32 $0xFFFFFFFF  }
0x33: {  	_ =	strace $0x9000004B  }
0x34: {  	_ =	sfence  }
0x35: {  	s30 =	sld [smem:$0x0];
	_ =	sdelay $0x2  }
0x36: {  	s31 =	sshll.u32 s1, $0xD;
	s1 =	sshrl.u32 s1, $0x2  }
0x37: {  	s3 =	sand.u32 $0x4000, s31;
	s1 =	sadd.s32 s1, s30  }
0x38: {  	s0 =	sor.u32 s3, s0;
	s1 =	sshll.u32 s1, $0x11  }
0x39: {  	s0 =	sor.u32 s1, s0  }
0x3a: {  	s0 =	sadd.s32 $0x8F2B, s0  }
0x3b: {  	[sflag:s0] =	ssyncadd.remote.s32 $0x1  }
0x3c: {  	_ =	sfence.sel $0xFFFF  }
0x3d: {  	[dreg:$0x0] =	wrdreg $0xFFFFFFFF;
	(pc) =	sbr.abs _section_cstart, $3  }
0x3e: {  	[dreg:$0x1] =	wrdreg $0xFFFFFFFF  }
0x3f: {  	_ =	task.clear_ibuf [dreg:s7], $0x2FFFF;
	_ =	strace $0x9FFFFFFF  }
0x40: {  	(tm) =	ssettm $0x7FFFFFFF  }
0x41: {  	_ =	shalt  }
tec
execute0_lowered:
.L_overlay_start_1:
0x0: {  	(tag) =	ssettag $0x1  }
0x1: {  	s14 =	rddreg [dreg:$0x0]  }
0x2: {  	s2 =	rddreg [dreg:$0x1]  }
0x3: {  	s0 =	rddreg [dreg:$0x2]  }
0x4: {  	_ =	strace $0x8000004A;
	s1 =	stileid.u32;
	s3 =	srdreg.scid  }
0x5: {  	s11 =	simm.s32 $0x2;
	s20 =	simm.s32 $0x0;
	s16 =	simm.s32 $0x40000  }
0x6: {  	s21 =	simm.s32 $0x0;
	s19 =	simm.s32 $0x0;
	s4 =	sshll.u32 s1, $0x3  }
0x7: {  	s5 =	sshll.u32 s1, $0x4;
	s6 =	sshll.u32 s3, $0x8;
	s3 =	sadd.s32 $0x440000, s14  }
0x8: {  	s12 =	sadd.s32 $0x6C0000, s14;
	s13 =	sadd.s32 $0x740000, s14;
	s5 =	sor.u32 s5, s6  }
0x9: {  	s4 =	sand.u32 $0x38, s4;
	s6 =	simm.s32 $0x1;
	s5 =	sand.u32 $0x180, s5  }
0xa: {  	s7 =	ssub.s32 $0x40, s4;
	[sflag:s6] =	ssyncpa.u1 $0x0;
	s18 =	smov.u32 s4  }
0xb: {  	s8 =	sand.u32 $0x38, s7;
	s9 =	ssub.s32 $0x8000, s5;
	s7 =	sshrl.u32 s7, $0x6  }
0xc: {  	p0 =	sne.s32 s8, $0x0;
	s8 =	simm.s32 $0x1;
	s10 =	sand.u32 $0x180, s9  }
0xd: {  	s8 =	simm.s32 @!p0 $0x0;
	p0 =	sne.s32 s10, $0x0;
	s10 =	simm.s32 $0x1  }
.Ltmp0:
0xe: {  	s9 =	sshrl.u32 s9, $0x9;
	s10 =	simm.s32 @!p0 $0x0;
	(pc) =	sbr.rel .LBB1_1-.Ltmp0, $4  }
0xf: {  	[sflag:s11] =	ssyncpa.u1 $0x0;
	s7 =	sadd.s32 s8, s7;
	s31 =	sadd.s32 s10, s9  }
0x10: {  	s11 =	sadd.s32 $0x640000, s14;
	s17 =	smov.u32 s5;
	s7 =	smul.u32 s7, s31  }
0x11: {  	s8 =	sadd.s32 $0x4C0000, s14;
	p0 =	por $0x0, $0x0;
	s9 =	sadd.s32 $0x540000, s14  }
0x12: {  	s10 =	sadd.s32 $0x5C0000, s14;
	s14 =	sadd.s32 $0x7C0000, s14;
	s15 =	sadd.s32 $0x1, s7  }
.LBB1_7:
0x13: {  	s22 =	sadd.s32 $0x200, s17  }
0x14: {  	s20 =	sadd.s32 $0x40, s18;
	s24 =	smov.u32 s18;
	p2 =	sgt.s32 s22, $0x7FFF  }
0x15: {  	s24 =	smov.u32 @p2 s20  }
0x16: {  	s22 =	smov.u32 @p2 s5;
	p2 =	sgt.s32 s24, $0x3F  }
0x17: {  	s24 =	smov.u32 @p2 s4;
	p2 =	sne.s32 s19, s15  }
.Ltmp1:
0x18: {  	p1 =	slt.u32 s19, $0x2;
	(pc) =	sbr.rel @!p2 .LBB1_8-.Ltmp1, $4  }
0x19: {  	s23 =	simm.s32 @!p1 $0x2  }
0x1a: {  	s21 =	smov.u32 s18;
	p0 =	por !p0, !p0;
	_ =	swait.ge @!p1 [sflag:s23], $0x4000  }
0x1b: {  	s20 =	smov.u32 s17;
	[sflag:s23] =	ssyncset.done @!p1 $0x0;
	s17 =	smov.u32 s22  }
0x1c: {  	s19 =	sadd.s32 $0x1, s19;
	[sflag:s23] =	ssyncadd.s32 @!p1 $0xFFFFC000;
	s18 =	smov.u32 s24  }
.LBB1_1:
0x1d: {  	p1 =	sge.u32 s19, s7  }
0x1e: {  	s22 =	sxor.u32 @!p1 $0xFFFFFFFF, s19  }
0x1f: {  	s23 =	sshll.u32 @!p1 s18, $0x13;
	s24 =	sshll.u32 @!p1 s17, $0x4;
	s26 =	simm.s32 @!p1 $0x10  }
0x20: {  	s22 =	sshll.u32 @!p1 s22, $0xE;
	s24 =	sand.u32 @!p1 $0x7FFF0, s24;
	s25 =	sadd.s32 @!p1 s3, s23  }
0x21: {  	s27 =	simm.s32 @!p1 $0x80;
	s22 =	sand.u32 @!p1 $0x4000, s22;
	s25 =	sadd.s32 @!p1 s24, s25  }
0x22: {  	[tilespmem:s22], [sflag:$0x1] =	stream.strided.gather @!p1 [hbm4b:s25+s26], $0x800, s27, s26, $0x38;
	[tilespmem:$0x10100] =	vst v63  }
0x23: {  	s25 =	sadd.s32 @!p1 s23, s8  }
0x24: {  	s28 =	sor.u32 @!p1 $0x800, s22;
	s25 =	sadd.s32 @!p1 s24, s25  }
0x25: {  	[tilespmem:s28], [sflag:$0x1] =	stream.strided.gather @!p1 [hbm4b:s25+s26], $0x800, s27, s26, $0x38;
	[tilespmem:$0x10100] =	vst v63  }
0x26: {  	s25 =	sadd.s32 @!p1 s23, s9  }
0x27: {  	s28 =	sor.u32 @!p1 $0x1000, s22;
	s25 =	sadd.s32 @!p1 s24, s25  }
0x28: {  	[tilespmem:s28], [sflag:$0x1] =	stream.strided.gather @!p1 [hbm4b:s25+s26], $0x800, s27, s26, $0x38;
	[tilespmem:$0x10100] =	vst v63  }
0x29: {  	s25 =	sadd.s32 @!p1 s23, s10  }
0x2a: {  	s28 =	sor.u32 @!p1 $0x1800, s22;
	s25 =	sadd.s32 @!p1 s24, s25  }
0x2b: {  	[tilespmem:s28], [sflag:$0x1] =	stream.strided.gather @!p1 [hbm4b:s25+s26], $0x800, s27, s26, $0x38;
	[tilespmem:$0x10100] =	vst v63  }
0x2c: {  	s25 =	sadd.s32 @!p1 s23, s11  }
0x2d: {  	s28 =	sor.u32 @!p1 $0x2000, s22;
	s25 =	sadd.s32 @!p1 s24, s25  }
0x2e: {  	[tilespmem:s28], [sflag:$0x1] =	stream.strided.gather @!p1 [hbm4b:s25+s26], $0x800, s27, s26, $0x38;
	[tilespmem:$0x10100] =	vst v63  }
0x2f: {  	s25 =	sadd.s32 @!p1 s23, s12  }
0x30: {  	s28 =	sor.u32 @!p1 $0x2800, s22;
	s25 =	sadd.s32 @!p1 s24, s25  }
0x31: {  	[tilespmem:s28], [sflag:$0x1] =	stream.strided.gather @!p1 [hbm4b:s25+s26], $0x800, s27, s26, $0x38;
	[tilespmem:$0x10100] =	vst v63  }
0x32: {  	s25 =	sadd.s32 @!p1 s23, s13  }
0x33: {  	s28 =	sor.u32 @!p1 $0x3000, s22;
	s23 =	sadd.s32 @!p1 s23, s14;
	s25 =	sadd.s32 @!p1 s24, s25  }
0x34: {  	[tilespmem:s28], [sflag:$0x1] =	stream.strided.gather @!p1 [hbm4b:s25+s26], $0x800, s27, s26, $0x38;
	[tilespmem:$0x10100] =	vst v63  }
0x35: {  	s31 =	sadd.s32 $0xFFFFFFFF, s19;
	s22 =	sor.u32 @!p1 $0x3800, s22;
	s23 =	sadd.s32 @!p1 s24, s23  }
0x36: {  	[tilespmem:s22], [sflag:$0x1] =	stream.strided.gather @!p1 [hbm4b:s23+s26], $0x800, s27, s26, $0x38;
	[tilespmem:$0x10100] =	vst v63  }
0x37: {  	p1 =	sge.u32 s31, s7  }
.Ltmp2:
0x38: {  	_ = 	snop;
	(pc) =	sbr.rel @p1 .LBB1_7-.Ltmp2, $1  }
0x39: {  	_ =	sdelay $0x3  }
0x3a: {  	s22 =	simm.s32 $0x1;
	s24 =	sand.u32 $0x1, s19  }
0x3b: {  	_ =	swait.ge [sflag:s6], $0x4000;
	s22 =	simm.s32 @!p0 $0x0;
	s25 =	smul.u32 $0x10200, s24  }
0x3c: {  	[sflag:s6] =	ssyncset.done $0x0;
	s23 =	smul.u32 $0x10200, s22  }
0x3d: {  	s22 =	sshll.u32 s22, $0xE;
	[sflag:s6] =	ssyncadd.s32 $0xFFFFC000  }
0x3e: {  	s24 =	sor.u32 $0x40, s22;
	s31 =	sshrl.u32 s25, $0x2;
	s23 =	sshrl.u32 s23, $0x2  }
0x3f: {  	s25 =	simm.s32 $0x0;
	s22 =	sor.u32 $0x8000, s31;
	s23 =	sor.u32 $0x8007, s23  }
.LBB1_3:
0x40: {  	v3 =	vld [tilespmem:s24+$0x30]  }
0x41: {  	v4 =	vld [tilespmem:s24+$0xFFFFFFD0]  }
0x42: {  	v5 =	vld [tilespmem:s24+$0xFFFFFFE0]  }
0x43: {  	v1 =	vld [tilespmem:s24+$0xFFFFFFF0]  }
0x44: {  	v0 =	vld [tilespmem:s24+$0x0]  }
0x45: {  	v2 =	vld [tilespmem:s24+$0x10];
	[tilespmem:s23+$0x0 ss:$0x81] =	vst.msk $0xffff, v3  }
0x46: {  	[tilespmem:s23+$0xFFFFFFFA ss:$0x81] =	vst.msk $0xffff, v4;
	v4 =	vld [tilespmem:s24+$0x20]  }
0x47: {  	s27 =	simm.s32 $0x0;
	s28 =	sadd.s32 $0x80, s24;
	s26 =	smov.u32 s23;
	v3 =	vld [tilespmem:s24+$0xFFFFFFC0];
	[tilespmem:s23+$0xFFFFFFFB ss:$0x81] =	vst.msk $0xffff, v5  }
.LBB1_4:
0x48: {  	v5 =	vld [tilespmem:s28+$0x30];
	s27 =	sadd.s32 $0x8, s27;
	[tilespmem:s26+$0xFFFFFFFC ss:$0x81] =	vst.msk $0xffff, v1  }
0x49: {  	v6 =	vld [tilespmem:s28+$0xFFFFFFD0];
	p1 =	slt.u32 s27, $0x78;
	[tilespmem:s26+$0xFFFFFFFD ss:$0x81] =	vst.msk $0xffff, v0  }
0x4a: {  	v7 =	vld [tilespmem:s28+$0xFFFFFFE0];
	[tilespmem:s26+$0xFFFFFFFE ss:$0x81] =	vst.msk $0xffff, v2  }
.Ltmp3:
0x4b: {  	v1 =	vld [tilespmem:s28+$0xFFFFFFF0];
	[tilespmem:s26+$0xFFFFFFFF ss:$0x81] =	vst.msk $0xffff, v4;
	(pc) =	sbr.rel @p1 .LBB1_4-.Ltmp3, $4  }
0x4c: {  	v0 =	vld [tilespmem:s28+$0x0];
	[tilespmem:s26+$0xFFFFFFF9 ss:$0x81] =	vst.msk $0xffff, v3;
	s26 =	sadd.s32 $0x8, s26  }
0x4d: {  	v2 =	vld [tilespmem:s28+$0x10];
	[tilespmem:s26+$0x0 ss:$0x81] =	vst.msk $0xffff, v5  }
0x4e: {  	[tilespmem:s26+$0xFFFFFFFA ss:$0x81] =	vst.msk $0xffff, v6;
	v4 =	vld [tilespmem:s28+$0x20]  }
0x4f: {  	v3 =	vld [tilespmem:s28+$0xFFFFFFC0];
	[tilespmem:s26+$0xFFFFFFFB ss:$0x81] =	vst.msk $0xffff, v7;
	s28 =	sadd.s32 $0x80, s28  }
0x50: {  	s25 =	sadd.s32 $0x1, s25  }
0x51: {  	p1 =	sne.s32 s25, $0x8  }
.Ltmp4:
0x52: {  	[tilespmem:s26+$0xFFFFFFFC ss:$0x81] =	vst.msk $0xffff, v1;
	(pc) =	sbr.rel @p1 .LBB1_3-.Ltmp4, $4  }
0x53: {  	[tilespmem:s26+$0xFFFFFFFD ss:$0x81] =	vst.msk $0xffff, v0  }
0x54: {  	[tilespmem:s26+$0xFFFFFFFE ss:$0x81] =	vst.msk $0xffff, v2  }
0x55: {  	[tilespmem:s26+$0xFFFFFFFF ss:$0x81] =	vst.msk $0xffff, v4  }
0x56: {  	s23 =	sadd.s32 $0x810, s23;
	s24 =	sadd.s32 $0x800, s24;
	[tilespmem:s26+$0xFFFFFFF9 ss:$0x81] =	vst.msk $0xffff, v3  }
0x57: {  	s23 =	sshll.u32 s20, $0x3;
	s24 =	sand.u32 $0x78, s20;
	s21 =	sshll.u32 s21, $0x10  }
.Ltmp5:
0x58: {  	s30 =	sand.u32 $0xF000, s20;
	s23 =	sand.u32 $0x7C00, s23;
	(pc) =	sbr.rel .LBB1_7-.Ltmp5, $4  }
0x59: {  	s31 =	sand.u32 $0x7, s20;
	s21 =	sadd.s32 s2, s21;
	s23 =	sor.u32 s24, s23  }
0x5a: {  	s20 =	sshll.u32 s31, $0x12;
	s21 =	sadd.s32 s30, s21;
	s23 =	sshrl.u32 s23, $0x3  }
0x5b: {  	s20 =	sor.u32 $0x400, s20;
	s21 =	sadd.s32 s23, s21  }
0x5c: {  	[hbm4b:s21+s20] =	stream.strided.scatter [tilespmem:s22], [sflag:$0x2], $0x4000, s16, s20, $0x20;
	[tilespmem:$0x10100] =	vst v63  }
.LBB1_8:
0x5d: {  	_ =	sfence.sel $0x180000  }
0x5e: {  	s2 =	simm.s32 $0x1;
	[bflag:$0x0] =	sbarrier.arrive $0xFFFF  }
0x5f: {  	s31 =	simm.s32 $0x2;
	[sflag:s2] =	ssyncpa.u1 $0x1  }
0x60: {  	[sflag:s31] =	ssyncpa.u1 $0x1  }
0x61: {  	p0 =	sne.s32 s1, $0x0;
	_ =	strace $0x9000004A  }
0x62: {  	s0 =	sadd.s32 @!p0 $0x100000, s0;
	[bflag:$0x2] =	sbarrier.arrive $0xFFFF  }
0x63: {  	[sflag:s0] =	ssyncadd.tile.s32 @!p0 $0x1;
	_ =	shalt  }
.Lfunc_end1:
_tile_overlayer_lowered:
.L_overlay_start_2:
0x64: {  	(tag) =	ssettag $0x2  }
0x65: {  	s0 =	rddreg [dreg:$0x0];
	s2 =	stileid.u32  }
0x66: {  	s1 =	rddreg [dreg:$0x1];
	p0 =	sne.s32 s2, $0x0  }
0x67: {  	s3 =	rddreg [dreg:$0x2];
	[bflag:$0x3] =	sbarrier.arrive $0xFFFF;
	s2 =	simm.s32 @!p0 $0x1C01  }
0x68: {  	[timem:s3], [sflag:s2] =	dma.local @!p0 [hbm:s0], s1  }
0x69: {  	s0 =	simm.s32 @!p0 $0x1  }
0x6a: {  	_ =	swait.ge @!p0 [sflag:s0], s1  }
0x6b: {  	s1 =	ssub.s32 @!p0 $0x0, s1;
	[sflag:s0] =	ssyncset.done @!p0 $0x0  }
0x6c: {  	[sflag:s0] =	ssyncadd.s32 @!p0 s1  }
0x6d: {  	[bflag:$0x3] =	sbarrier.arrive $0xFFFF  }
0x6e: {  	_ =	shalt  }

</sc_bundles>
